<compile_context>
chip_gen: v7x
topology: tpu7x:2x2x1
jax: 0.10.2.dev20260603
libtpu: 0.0.44.dev20260713+nightly
codegen_flags: <defaults>
</compile_context>

<pallas_src>
import functools

import jax
import jax.numpy as jnp
from jax import lax
from jax.experimental import pallas as pl
from jax.experimental.pallas import tpu as pltpu
from jax.experimental.pallas import tpu_sc as plsc

N = 10000
E = 160000
D_IN = 500
H = 16
C = 3

N_PAD = 10240
D_PAD = 512
NC = 2
NS = 16
NW = NC * NS
CHUNK = 128
NCHUNK = 40
E_PAD = NW * CHUNK * NCHUNK
EPW = CHUNK * NCHUNK
RPW = N_PAD // NS
RPT = N_PAD // NW
BLK = 512
GRID = N_PAD // BLK
PBLK = BLK * H // 128
PN = N_PAD * H // 128
PMASK = N * H // 128


@functools.cache
def _sc_kernels():
    mesh = plsc.VectorSubcoreMesh(core_axis_name="c", subcore_axis_name="s")
    params = pltpu.CompilerParams(use_tc_tiling_on_sc=False)
    params_nl = pltpu.CompilerParams(use_tc_tiling_on_sc=False,
                                     needs_layout_passes=False)

    @functools.partial(
        pl.kernel,
        mesh=mesh,
        compiler_params=params,
        out_type=jax.ShapeDtypeStruct((NC, N_PAD, H), jnp.float32),
        scratch_types=[
            pltpu.VMEM_SHARED((N_PAD, H), jnp.float32),
            pltpu.VMEM((NCHUNK, CHUNK), jnp.int32),
            pltpu.VMEM((CHUNK, H), jnp.float32),
            pltpu.SemaphoreType.DMA,
        ],
    )
    def _sc_degree(ones_hbm, dst_hbm, out_hbm, acc_sh, didx, ones_v, sem_s):
        c = lax.axis_index("c")
        s = lax.axis_index("s")
        w = c * NS + s
        r0 = s * RPW
        pltpu.sync_copy(ones_hbm.at[pl.ds(r0, RPW)], acc_sh.at[pl.ds(r0, RPW)])
        pltpu.sync_copy(ones_hbm.at[pl.ds(0, CHUNK)], ones_v)
        pltpu.sync_copy(dst_hbm.at[pl.ds(w * NCHUNK, NCHUNK)], didx)
        plsc.subcore_barrier()

        def fire(j, carry):
            pltpu.async_copy(ones_v, acc_sh.at[didx.at[j]], sem_s, add=True)
            return carry

        lax.fori_loop(0, NCHUNK, fire, 0)

        def drain(j, carry):
            pltpu.make_async_copy(ones_v, acc_sh.at[didx.at[j]], sem_s).wait()
            return carry

        lax.fori_loop(0, NCHUNK, drain, 0)
        plsc.subcore_barrier()
        pltpu.sync_copy(acc_sh.at[pl.ds(r0, RPW)], out_hbm.at[c, pl.ds(r0, RPW)])

    HALF = NCHUNK // 2

    @functools.partial(
        pl.kernel,
        mesh=mesh,
        compiler_params=params_nl,
        out_type=jax.ShapeDtypeStruct((NC, N_PAD, H), jnp.float32),
        scratch_types=[
            pltpu.VMEM_SHARED((N_PAD, H), jnp.float32),
            pltpu.VMEM_SHARED((N_PAD, H), jnp.float32),
            pltpu.VMEM((NCHUNK, CHUNK), jnp.int32),
            pltpu.VMEM((NCHUNK, CHUNK), jnp.int32),
            pltpu.VMEM((HALF, CHUNK, H), jnp.float32),
            pltpu.VMEM((RPW, H), jnp.float32),
            pltpu.VMEM((RPW, H), jnp.float32),
            pltpu.VMEM((RPW, H), jnp.float32),
            pltpu.SemaphoreType.DMA,
            pltpu.SemaphoreType.DMA,
        ],
    )
    def _sc_scale_prop(xw_hbm, degp_hbm, src_hbm, dst_hbm, out_hbm, y_sh,
                       acc_sh, sidx, didx, rows, xw_v, d0_v, d1_v,
                       sem_g, sem_s):
        c = lax.axis_index("c")
        s = lax.axis_index("s")
        w = c * NS + s
        r0 = s * RPW
        pltpu.sync_copy(xw_hbm.at[pl.ds(r0, RPW)], xw_v)
        pltpu.sync_copy(degp_hbm.at[0, pl.ds(r0, RPW)], d0_v)
        pltpu.sync_copy(degp_hbm.at[1, pl.ds(r0, RPW)], d1_v)
        pltpu.sync_copy(src_hbm.at[pl.ds(w * NCHUNK, NCHUNK)], sidx)
        pltpu.sync_copy(dst_hbm.at[pl.ds(w * NCHUNK, NCHUNK)], didx)

        def row(r, carry):
            d = d0_v[r, :] + d1_v[r, :] - 1.0
            seed = jnp.int32(0x5F3759DF) - lax.shift_right_arithmetic(
                plsc.bitcast(d, jnp.int32), 1)
            v = plsc.bitcast(seed, jnp.float32)
            for _ in range(3):
                v = v * (1.5 - 0.5 * d * v * v)
            xw_v[r, :] = xw_v[r, :] * v
            d0_v[r, :] = jnp.zeros((H,), jnp.float32)
            return carry

        lax.fori_loop(0, RPW, row, 0)
        pltpu.sync_copy(xw_v, y_sh.at[pl.ds(r0, RPW)])

        @pl.when(c == 0)
        def _():
            pltpu.sync_copy(xw_v, acc_sh.at[pl.ds(r0, RPW)])

        @pl.when(c != 0)
        def _():
            pltpu.sync_copy(d0_v, acc_sh.at[pl.ds(r0, RPW)])

        plsc.subcore_barrier()

        for half in range(2):
            base = half * HALF

            def fire_g(j, carry):
                pltpu.async_copy(y_sh.at[sidx.at[base + j]], rows.at[j],
                                 sem_g)
                return carry

            lax.fori_loop(0, HALF, fire_g, 0)

            def drain_g(j, carry):
                pltpu.make_async_copy(y_sh.at[sidx.at[base + j]],
                                      rows.at[j], sem_g).wait()
                return carry

            lax.fori_loop(0, HALF, drain_g, 0)

            def fire_s(j, carry):
                pltpu.async_copy(rows.at[j], acc_sh.at[didx.at[base + j]],
                                 sem_s, add=True)
                return carry

            lax.fori_loop(0, HALF, fire_s, 0)

            def drain_s(j, carry):
                pltpu.make_async_copy(rows.at[j],
                                      acc_sh.at[didx.at[base + j]],
                                      sem_s).wait()
                return carry

            lax.fori_loop(0, HALF, drain_s, 0)

        plsc.subcore_barrier()
        pltpu.sync_copy(acc_sh.at[pl.ds(r0, RPW)], out_hbm.at[c, pl.ds(r0, RPW)])

    @functools.partial(
        pl.kernel,
        mesh=mesh,
        compiler_params=params,
        out_type=jax.ShapeDtypeStruct((NC, N_PAD, H), jnp.float32),
        scratch_types=[
            pltpu.VMEM_SHARED((N_PAD, H), jnp.float32),
            pltpu.VMEM((NCHUNK, CHUNK), jnp.int32),
            pltpu.VMEM((NCHUNK, CHUNK), jnp.int32),
            pltpu.VMEM((NCHUNK, CHUNK, H), jnp.float32),
            pltpu.SemaphoreType.DMA,
            pltpu.SemaphoreType.DMA,
        ],
    )
    def _sc_propagate(y_hbm, src_hbm, dst_hbm, out_hbm, acc_sh, sidx,
                      didx, rows, sem_g, sem_s):
        c = lax.axis_index("c")
        s = lax.axis_index("s")
        w = c * NS + s
        r0 = s * RPW
        pltpu.sync_copy(y_hbm.at[pl.ds(r0, RPW)], acc_sh.at[pl.ds(r0, RPW)])
        pltpu.sync_copy(src_hbm.at[pl.ds(w * NCHUNK, NCHUNK)], sidx)
        pltpu.sync_copy(dst_hbm.at[pl.ds(w * NCHUNK, NCHUNK)], didx)
        plsc.subcore_barrier()

        def fire_g(j, carry):
            pltpu.async_copy(y_hbm.at[sidx.at[j]], rows.at[j], sem_g)
            return carry

        lax.fori_loop(0, NCHUNK, fire_g, 0)

        def drain_g(j, carry):
            pltpu.make_async_copy(y_hbm.at[sidx.at[j]], rows.at[j],
                                  sem_g).wait()
            return carry

        lax.fori_loop(0, NCHUNK, drain_g, 0)

        def fire_s(j, carry):
            pltpu.async_copy(rows.at[j], acc_sh.at[didx.at[j]], sem_s,
                             add=True)
            return carry

        lax.fori_loop(0, NCHUNK, fire_s, 0)

        def drain_s(j, carry):
            pltpu.make_async_copy(rows.at[j], acc_sh.at[didx.at[j]],
                                  sem_s).wait()
            return carry

        lax.fori_loop(0, NCHUNK, drain_s, 0)
        plsc.subcore_barrier()
        pltpu.sync_copy(acc_sh.at[pl.ds(r0, RPW)], out_hbm.at[c, pl.ds(r0, RPW)])

    return _sc_degree, _sc_scale_prop, _sc_propagate


def _pdinv(degp0, degp1):
    return lax.rsqrt(jnp.maximum(degp0 + degp1 - 1.0, 1.0))


def _mm_body(xt_ref, w_ref, xw_ref):
    i = pl.program_id(0)
    xw = lax.dot_general(xt_ref[...], w_ref[...], (((0,), (0,)), ((), ())),
                         preferred_element_type=jnp.float32)
    rid = i * BLK + lax.broadcasted_iota(jnp.int32, (BLK, H), 0)
    xw_ref[...] = jnp.where(rid < N, xw, 0.0)


def _mid_body(accp_ref, degp_ref, b1t_ref, yh_ref):
    i = pl.program_id(0)
    dinv = _pdinv(degp_ref[0], degp_ref[1])
    acc = accp_ref[0] + accp_ref[1]
    h = jnp.maximum(dinv * acc + b1t_ref[...], 0.0)
    pr = i * PBLK + lax.broadcasted_iota(jnp.int32, (PBLK, 128), 0)
    yh_ref[...] = jnp.where(pr < PMASK, dinv * h, 0.0)


def _t_body(accp_ref, degp_ref, yh_ref, t_ref):
    dinv = _pdinv(degp_ref[0], degp_ref[1])
    t_ref[...] = dinv * (accp_ref[0] + accp_ref[1] - yh_ref[...])


def _final_body(t_ref, w2t_ref, b2_ref, out_ref):
    z = t_ref[...]
    w2t = w2t_ref[...]
    b2 = b2_ref[...]
    ls = [
        jnp.sum(z * w2t[c_:c_ + 1, :], axis=1, keepdims=True) + b2[0, c_]
        for c_ in range(C)
    ]
    m = jnp.maximum(jnp.maximum(ls[0], ls[1]), ls[2])
    se = sum(jnp.exp(l - m) for l in ls)
    lse = m + jnp.log(se)
    out_ref[...] = jnp.concatenate([l - lse for l in ls], axis=1)


_pk_spec = pl.BlockSpec((PBLK, 128), lambda i: (i, 0))
_pk_shape = jax.ShapeDtypeStruct((PN, 128), jnp.float32)
_pk2_spec = pl.BlockSpec((NC, PBLK, 128), lambda i: (0, i, 0))

_mm = pl.pallas_call(
    _mm_body,
    grid=(GRID,),
    in_specs=[
        pl.BlockSpec((D_IN, BLK), lambda i: (0, i)),
        pl.BlockSpec((D_IN, H), lambda i: (0, 0)),
    ],
    out_specs=pl.BlockSpec((BLK, H), lambda i: (i, 0)),
    out_shape=jax.ShapeDtypeStruct((N_PAD, H), jnp.float32),
)

_mid = pl.pallas_call(
    _mid_body,
    grid=(GRID,),
    in_specs=[
        _pk2_spec,
        _pk2_spec,
        pl.BlockSpec((1, 128), lambda i: (0, 0)),
    ],
    out_specs=_pk_spec,
    out_shape=_pk_shape,
)

_t = pl.pallas_call(
    _t_body,
    grid=(GRID,),
    in_specs=[_pk2_spec, _pk2_spec, _pk_spec],
    out_specs=_pk_spec,
    out_shape=_pk_shape,
)

_final = pl.pallas_call(
    _final_body,
    grid=(GRID,),
    in_specs=[
        pl.BlockSpec((BLK, H), lambda i: (i, 0)),
        pl.BlockSpec((C, H), lambda i: (0, 0)),
        pl.BlockSpec((1, C), lambda i: (0, 0)),
    ],
    out_specs=pl.BlockSpec((BLK, C), lambda i: (i, 0)),
    out_shape=jax.ShapeDtypeStruct((N_PAD, C), jnp.float32),
)


def kernel(x, edge_index, W1, b1, W2, b2):
    src = edge_index[0]
    dst = edge_index[1]
    npad = E_PAD - E
    pad_ids = (N + (jnp.arange(npad, dtype=jnp.int32) % (N_PAD - N)))
    pad_ids = pad_ids.astype(jnp.int32)
    src_p = jnp.concatenate([src, pad_ids]).reshape(E_PAD // CHUNK, CHUNK)
    dst_p = jnp.concatenate([dst, pad_ids]).reshape(E_PAD // CHUNK, CHUNK)

    ones = jnp.ones((N_PAD, H), jnp.float32)
    b1t = jnp.tile(b1, 128 // H).reshape(1, 128)

    sc_degree, sc_scale_prop, sc_propagate = _sc_kernels()
    degp = sc_degree(ones, dst_p)
    xw = _mm(x.T, W1)
    acc1 = sc_scale_prop(xw, degp, src_p, dst_p)
    degpp = degp.reshape(NC, PN, 128)
    yhp = _mid(acc1.reshape(NC, PN, 128), degpp, b1t)
    acc2 = sc_propagate(yhp.reshape(N_PAD, H), src_p, dst_p)
    tp = _t(acc2.reshape(NC, PN, 128), degpp, yhp)
    out = _final(tp.reshape(N_PAD, H), W2.T, b2.reshape(1, C))
    return out[:N]

# --- scband reference (transcript-rebuilt; emitter-appended) ---
"""Pipeline reference for scband-method-gcn-25907242729542 (READ-ONLY COPY).

The authoritative reference and input builder live on the scoring server;
editing this copy changes nothing except your own understanding.
"""

import jax, jax.numpy as jnp
import numpy as np

N = 10000
E = 160000
D_IN = 500
H = 16
C = 3


def setup_inputs(seed: int = 0) -> dict:
    key = jax.random.key(seed)
    k1, k2, k3, k4, k5, k6 = jax.random.split(key, 6)
    x = jax.random.normal(k1, (N, D_IN), dtype=jnp.float32)
    edge_index = jax.random.randint(k2, (2, E), 0, N, dtype=jnp.int32)
    W1 = jax.random.normal(k3, (D_IN, H), dtype=jnp.float32) * (1.0 / np.sqrt(D_IN))
    b1 = jnp.zeros((H,), dtype=jnp.float32)
    W2 = jax.random.normal(k4, (H, C), dtype=jnp.float32) * (1.0 / np.sqrt(H))
    b2 = jnp.zeros((C,), dtype=jnp.float32)
    return {"x": x, "edge_index": edge_index, "W1": W1, "b1": b1, "W2": W2, "b2": b2}


def gcn_conv(x, edge_index, W, b):
    # Faithful GCNConv: add self-loops, symmetric normalization D^-1/2 (A+I) D^-1/2, then XW + bias
    n = x.shape[0]
    src = edge_index[0]
    dst = edge_index[1]
    loop = jnp.arange(n, dtype=edge_index.dtype)
    src = jnp.concatenate([src, loop])
    dst = jnp.concatenate([dst, loop])
    ones = jnp.ones(src.shape[0], dtype=x.dtype)
    deg = jnp.zeros((n,), dtype=x.dtype).at[dst].add(ones)
    dinv = jax.lax.rsqrt(jnp.maximum(deg, 1.0))
    norm = dinv[src] * dinv[dst]
    xw = x @ W
    msg = jnp.take(xw, src, axis=0) * norm[:, None]
    out = jnp.zeros((n, W.shape[1]), dtype=x.dtype).at[dst].add(msg)
    return out + b


def reference(x, edge_index, W1, b1, W2, b2):
    h = gcn_conv(x, edge_index, W1, b1)
    h = jax.nn.relu(h)
    # F.dropout(training=self.training): identity in eval mode
    h = gcn_conv(h, edge_index, W2, b2)
    return jax.nn.log_softmax(h, axis=1)

if __name__ == "__main__":
    import jax
    _d = setup_inputs()
    print(jax.jit(kernel)(*tuple(_d.values())))

</pallas_src>

<mosaic_0001>
#map = affine_map<(d0, d1) -> (0, 0)>
#map1 = affine_map<(d0, d1) -> (0, 0, 0)>
module attributes {stable_mosaic.version = 14 : i64} {
  func.func @_sc_scale_prop(%arg0: i32, %arg1: i32, %arg2: memref<10240x16xf32, #tpu.memory_space<hbm>>, %arg3: memref<2x10240x16xf32, #tpu.memory_space<hbm>>, %arg4: memref<1280x128xi32, #tpu.memory_space<hbm>>, %arg5: memref<1280x128xi32, #tpu.memory_space<hbm>>, %arg6: memref<2x10240x16xf32, #tpu.memory_space<hbm>>, %arg7: memref<10240x16xf32, #tpu.memory_space<vmem_shared>>, %arg8: memref<10240x16xf32, #tpu.memory_space<vmem_shared>>, %arg9: memref<40x128xi32, #tpu.memory_space<vmem>>, %arg10: memref<40x128xi32, #tpu.memory_space<vmem>>, %arg11: memref<20x128x16xf32, #tpu.memory_space<vmem>>, %arg12: memref<640x16xf32, #tpu.memory_space<vmem>>, %arg13: memref<640x16xf32, #tpu.memory_space<vmem>>, %arg14: memref<640x16xf32, #tpu.memory_space<vmem>>, %arg15: memref<!tpu.dma_semaphore, #tpu.memory_space<semaphore_mem>>, %arg16: memref<!tpu.dma_semaphore, #tpu.memory_space<semaphore_mem>>) attributes {dimension_semantics = [#tpu.dimension_semantics<core_parallel>, #tpu.dimension_semantics<subcore_parallel>], iteration_bounds = array<i64: 2, 16>, scalar_prefetch = 0 : i64, scratch_operands = 10 : i64, tpu.core_type = #tpu.core_type<sc_vector_subcore>, window_params = [{transform_indices = #map}, {transform_indices = #map1}, {transform_indices = #map}, {transform_indices = #map}, {transform_indices = #map1}]} {
    %mul3A = arith.constant 16 : i32
    %mul3A_0 = arith.muli %arg0, %mul3A : i32
    %add3A = arith.addi %mul3A_0, %arg1 : i32
    %mul3A_1 = arith.constant 640 : i32
    %mul3A_2 = arith.muli %arg1, %mul3A_1 : i32
    "tpu.region"() ({
      %run_scoped3A_68 = tpu.sem_alloc : memref<!tpu.dma_semaphore, #tpu.memory_space<semaphore_mem>>
      %dma_start3A = arith.constant 0 : i32
      %dma_start3A_69 = tpu.memref_slice %arg2[%mul3A_2, %dma_start3A] : memref<10240x16xf32, #tpu.memory_space<hbm>> -> memref<640x16xf32, #tpu.memory_space<hbm>>
      %dma_start3A_70 = arith.constant 0 : i32
      %dma_start3A_71 = tpu.memref_slice %arg2[%mul3A_2, %dma_start3A_70] : memref<10240x16xf32, #tpu.memory_space<hbm>> -> memref<640x16xf32, #tpu.memory_space<hbm>>
      tpu.enqueue_dma source(%dma_start3A_71 : memref<640x16xf32, #tpu.memory_space<hbm>>) target(%arg12 : memref<640x16xf32, #tpu.memory_space<vmem>>) target_semaphore(%run_scoped3A_68 : memref<!tpu.dma_semaphore, #tpu.memory_space<semaphore_mem>>)
      %dma_wait3A = arith.constant 0 : i32
      %dma_wait3A_72 = tpu.memref_slice %arg2[%mul3A_2, %dma_wait3A] : memref<10240x16xf32, #tpu.memory_space<hbm>> -> memref<640x16xf32, #tpu.memory_space<hbm>>
      %dma_wait3A_73 = arith.constant 0 : i32
      %dma_wait3A_74 = tpu.memref_slice %arg2[%mul3A_2, %dma_wait3A_73] : memref<10240x16xf32, #tpu.memory_space<hbm>> -> memref<640x16xf32, #tpu.memory_space<hbm>>
      tpu.wait_dma2 semaphore(%run_scoped3A_68 : memref<!tpu.dma_semaphore, #tpu.memory_space<semaphore_mem>>) src(%dma_wait3A_74 : memref<640x16xf32, #tpu.memory_space<hbm>>) dst(%arg12 : memref<640x16xf32, #tpu.memory_space<vmem>>)
      tpu.yield
    }) : () -> ()
    %run_scoped3A = arith.constant 0 : i32
    "tpu.region"() ({
      %run_scoped3A_68 = tpu.sem_alloc : memref<!tpu.dma_semaphore, #tpu.memory_space<semaphore_mem>>
      %dma_start3A = arith.constant 0 : i32
      %dma_start3A_69 = tpu.memref_slice %arg3[%run_scoped3A, %mul3A_2, %dma_start3A] : memref<2x10240x16xf32, #tpu.memory_space<hbm>> -> memref<1x640x16xf32, #tpu.memory_space<hbm>>
      %dma_start3A_70 = tpu.memref_squeeze %dma_start3A_69 : memref<1x640x16xf32, #tpu.memory_space<hbm>> -> memref<640x16xf32, #tpu.memory_space<hbm>>
      %dma_start3A_71 = arith.constant 0 : i32
      %dma_start3A_72 = tpu.memref_slice %arg3[%run_scoped3A, %mul3A_2, %dma_start3A_71] : memref<2x10240x16xf32, #tpu.memory_space<hbm>> -> memref<1x640x16xf32, #tpu.memory_space<hbm>>
      %dma_start3A_73 = tpu.memref_squeeze %dma_start3A_72 : memref<1x640x16xf32, #tpu.memory_space<hbm>> -> memref<640x16xf32, #tpu.memory_space<hbm>>
      tpu.enqueue_dma source(%dma_start3A_73 : memref<640x16xf32, #tpu.memory_space<hbm>>) target(%arg13 : memref<640x16xf32, #tpu.memory_space<vmem>>) target_semaphore(%run_scoped3A_68 : memref<!tpu.dma_semaphore, #tpu.memory_space<semaphore_mem>>)
      %dma_wait3A = arith.constant 0 : i32
      %dma_wait3A_74 = tpu.memref_slice %arg3[%run_scoped3A, %mul3A_2, %dma_wait3A] : memref<2x10240x16xf32, #tpu.memory_space<hbm>> -> memref<1x640x16xf32, #tpu.memory_space<hbm>>
      %dma_wait3A_75 = tpu.memref_squeeze %dma_wait3A_74 : memref<1x640x16xf32, #tpu.memory_space<hbm>> -> memref<640x16xf32, #tpu.memory_space<hbm>>
      %dma_wait3A_76 = arith.constant 0 : i32
      %dma_wait3A_77 = tpu.memref_slice %arg3[%run_scoped3A, %mul3A_2, %dma_wait3A_76] : memref<2x10240x16xf32, #tpu.memory_space<hbm>> -> memref<1x640x16xf32, #tpu.memory_space<hbm>>
      %dma_wait3A_78 = tpu.memref_squeeze %dma_wait3A_77 : memref<1x640x16xf32, #tpu.memory_space<hbm>> -> memref<640x16xf32, #tpu.memory_space<hbm>>
      tpu.wait_dma2 semaphore(%run_scoped3A_68 : memref<!tpu.dma_semaphore, #tpu.memory_space<semaphore_mem>>) src(%dma_wait3A_78 : memref<640x16xf32, #tpu.memory_space<hbm>>) dst(%arg13 : memref<640x16xf32, #tpu.memory_space<vmem>>)
      tpu.yield
    }) : () -> ()
    %run_scoped3A_3 = arith.constant 1 : i32
    "tpu.region"() ({
      %run_scoped3A_68 = tpu.sem_alloc : memref<!tpu.dma_semaphore, #tpu.memory_space<semaphore_mem>>
      %dma_start3A = arith.constant 0 : i32
      %dma_start3A_69 = tpu.memref_slice %arg3[%run_scoped3A_3, %mul3A_2, %dma_start3A] : memref<2x10240x16xf32, #tpu.memory_space<hbm>> -> memref<1x640x16xf32, #tpu.memory_space<hbm>>
      %dma_start3A_70 = tpu.memref_squeeze %dma_start3A_69 : memref<1x640x16xf32, #tpu.memory_space<hbm>> -> memref<640x16xf32, #tpu.memory_space<hbm>>
      %dma_start3A_71 = arith.constant 0 : i32
      %dma_start3A_72 = tpu.memref_slice %arg3[%run_scoped3A_3, %mul3A_2, %dma_start3A_71] : memref<2x10240x16xf32, #tpu.memory_space<hbm>> -> memref<1x640x16xf32, #tpu.memory_space<hbm>>
      %dma_start3A_73 = tpu.memref_squeeze %dma_start3A_72 : memref<1x640x16xf32, #tpu.memory_space<hbm>> -> memref<640x16xf32, #tpu.memory_space<hbm>>
      tpu.enqueue_dma source(%dma_start3A_73 : memref<640x16xf32, #tpu.memory_space<hbm>>) target(%arg14 : memref<640x16xf32, #tpu.memory_space<vmem>>) target_semaphore(%run_scoped3A_68 : memref<!tpu.dma_semaphore, #tpu.memory_space<semaphore_mem>>)
      %dma_wait3A = arith.constant 0 : i32
      %dma_wait3A_74 = tpu.memref_slice %arg3[%run_scoped3A_3, %mul3A_2, %dma_wait3A] : memref<2x10240x16xf32, #tpu.memory_space<hbm>> -> memref<1x640x16xf32, #tpu.memory_space<hbm>>
      %dma_wait3A_75 = tpu.memref_squeeze %dma_wait3A_74 : memref<1x640x16xf32, #tpu.memory_space<hbm>> -> memref<640x16xf32, #tpu.memory_space<hbm>>
      %dma_wait3A_76 = arith.constant 0 : i32
      %dma_wait3A_77 = tpu.memref_slice %arg3[%run_scoped3A_3, %mul3A_2, %dma_wait3A_76] : memref<2x10240x16xf32, #tpu.memory_space<hbm>> -> memref<1x640x16xf32, #tpu.memory_space<hbm>>
      %dma_wait3A_78 = tpu.memref_squeeze %dma_wait3A_77 : memref<1x640x16xf32, #tpu.memory_space<hbm>> -> memref<640x16xf32, #tpu.memory_space<hbm>>
      tpu.wait_dma2 semaphore(%run_scoped3A_68 : memref<!tpu.dma_semaphore, #tpu.memory_space<semaphore_mem>>) src(%dma_wait3A_78 : memref<640x16xf32, #tpu.memory_space<hbm>>) dst(%arg14 : memref<640x16xf32, #tpu.memory_space<vmem>>)
      tpu.yield
    }) : () -> ()
    %mul3A_4 = arith.constant 40 : i32
    %mul3A_5 = arith.muli %add3A, %mul3A_4 : i32
    "tpu.region"() ({
      %run_scoped3A_68 = tpu.sem_alloc : memref<!tpu.dma_semaphore, #tpu.memory_space<semaphore_mem>>
      %dma_start3A = arith.constant 0 : i32
      %dma_start3A_69 = tpu.memref_slice %arg4[%mul3A_5, %dma_start3A] : memref<1280x128xi32, #tpu.memory_space<hbm>> -> memref<40x128xi32, #tpu.memory_space<hbm>>
      %dma_start3A_70 = arith.constant 0 : i32
      %dma_start3A_71 = tpu.memref_slice %arg4[%mul3A_5, %dma_start3A_70] : memref<1280x128xi32, #tpu.memory_space<hbm>> -> memref<40x128xi32, #tpu.memory_space<hbm>>
      tpu.enqueue_dma source(%dma_start3A_71 : memref<40x128xi32, #tpu.memory_space<hbm>>) target(%arg9 : memref<40x128xi32, #tpu.memory_space<vmem>>) target_semaphore(%run_scoped3A_68 : memref<!tpu.dma_semaphore, #tpu.memory_space<semaphore_mem>>)
      %dma_wait3A = arith.constant 0 : i32
      %dma_wait3A_72 = tpu.memref_slice %arg4[%mul3A_5, %dma_wait3A] : memref<1280x128xi32, #tpu.memory_space<hbm>> -> memref<40x128xi32, #tpu.memory_space<hbm>>
      %dma_wait3A_73 = arith.constant 0 : i32
      %dma_wait3A_74 = tpu.memref_slice %arg4[%mul3A_5, %dma_wait3A_73] : memref<1280x128xi32, #tpu.memory_space<hbm>> -> memref<40x128xi32, #tpu.memory_space<hbm>>
      tpu.wait_dma2 semaphore(%run_scoped3A_68 : memref<!tpu.dma_semaphore, #tpu.memory_space<semaphore_mem>>) src(%dma_wait3A_74 : memref<40x128xi32, #tpu.memory_space<hbm>>) dst(%arg9 : memref<40x128xi32, #tpu.memory_space<vmem>>)
      tpu.yield
    }) : () -> ()
    %mul3A_6 = arith.constant 40 : i32
    %mul3A_7 = arith.muli %add3A, %mul3A_6 : i32
    "tpu.region"() ({
      %run_scoped3A_68 = tpu.sem_alloc : memref<!tpu.dma_semaphore, #tpu.memory_space<semaphore_mem>>
      %dma_start3A = arith.constant 0 : i32
      %dma_start3A_69 = tpu.memref_slice %arg5[%mul3A_7, %dma_start3A] : memref<1280x128xi32, #tpu.memory_space<hbm>> -> memref<40x128xi32, #tpu.memory_space<hbm>>
      %dma_start3A_70 = arith.constant 0 : i32
      %dma_start3A_71 = tpu.memref_slice %arg5[%mul3A_7, %dma_start3A_70] : memref<1280x128xi32, #tpu.memory_space<hbm>> -> memref<40x128xi32, #tpu.memory_space<hbm>>
      tpu.enqueue_dma source(%dma_start3A_71 : memref<40x128xi32, #tpu.memory_space<hbm>>) target(%arg10 : memref<40x128xi32, #tpu.memory_space<vmem>>) target_semaphore(%run_scoped3A_68 : memref<!tpu.dma_semaphore, #tpu.memory_space<semaphore_mem>>)
      %dma_wait3A = arith.constant 0 : i32
      %dma_wait3A_72 = tpu.memref_slice %arg5[%mul3A_7, %dma_wait3A] : memref<1280x128xi32, #tpu.memory_space<hbm>> -> memref<40x128xi32, #tpu.memory_space<hbm>>
      %dma_wait3A_73 = arith.constant 0 : i32
      %dma_wait3A_74 = tpu.memref_slice %arg5[%mul3A_7, %dma_wait3A_73] : memref<1280x128xi32, #tpu.memory_space<hbm>> -> memref<40x128xi32, #tpu.memory_space<hbm>>
      tpu.wait_dma2 semaphore(%run_scoped3A_68 : memref<!tpu.dma_semaphore, #tpu.memory_space<semaphore_mem>>) src(%dma_wait3A_74 : memref<40x128xi32, #tpu.memory_space<hbm>>) dst(%arg10 : memref<40x128xi32, #tpu.memory_space<vmem>>)
      tpu.yield
    }) : () -> ()
    %scan3A = arith.constant 0 : i32
    %scan3A_8 = arith.constant 0 : i32
    %scan3A_9 = arith.constant 640 : i32
    %scan3A_10 = arith.addi %scan3A_8, %scan3A_9 : i32
    %scan3A_11 = arith.constant 1 : i32
    scf.for %scan3A_68 = %scan3A_8 to %scan3A_10 step %scan3A_11  : i32 {
      %get3A = arith.index_cast %scan3A_68 : i32 to index
      %get3A_69 = arith.constant 0 : index
      %get3A_70 = tpu.vector_load %arg13[%get3A, %get3A_69] {strides = array<i32>} : memref<640x16xf32, #tpu.memory_space<vmem>>, vector<16xf32>,
      %get3A_71 = arith.index_cast %scan3A_68 : i32 to index
      %get3A_72 = arith.constant 0 : index
      %get3A_73 = tpu.vector_load %arg14[%get3A_71, %get3A_72] {strides = array<i32>} : memref<640x16xf32, #tpu.memory_space<vmem>>, vector<16xf32>,
      %add3A_74 = arith.addf %get3A_70, %get3A_73 : vector<16xf32>
      %sub3A = arith.constant 1.000000e+00 : f32
      %sub3A_75 = vector.broadcast %sub3A : f32 to vector<16xf32>
      %sub3A_76 = arith.subf %add3A_74, %sub3A_75 : vector<16xf32>
      %bitcast3A = vector.bitcast %sub3A_76 : vector<16xf32> to vector<16xi32>
      %shift_right_arithmetic3A = arith.constant 1 : i32
      %shift_right_arithmetic3A_77 = vector.broadcast %shift_right_arithmetic3A : i32 to vector<16xi32>
      %shift_right_arithmetic3A_78 = arith.shrsi %bitcast3A, %shift_right_arithmetic3A_77 : vector<16xi32>
      %sub3A_79 = arith.constant 1597463007 : i32
      %sub3A_80 = vector.broadcast %sub3A_79 : i32 to vector<16xi32>
      %sub3A_81 = arith.subi %sub3A_80, %shift_right_arithmetic3A_78 : vector<16xi32>
      %bitcast3A_82 = vector.bitcast %sub3A_81 : vector<16xi32> to vector<16xf32>
      %mul3A_83 = arith.constant 5.000000e-01 : f32
      %mul3A_84 = vector.broadcast %mul3A_83 : f32 to vector<16xf32>
      %mul3A_85 = arith.mulf %mul3A_84, %sub3A_76 : vector<16xf32>
      %mul3A_86 = arith.mulf %mul3A_85, %bitcast3A_82 : vector<16xf32>
      %mul3A_87 = arith.mulf %mul3A_86, %bitcast3A_82 : vector<16xf32>
      %sub3A_88 = arith.constant 1.500000e+00 : f32
      %sub3A_89 = vector.broadcast %sub3A_88 : f32 to vector<16xf32>
      %sub3A_90 = arith.subf %sub3A_89, %mul3A_87 : vector<16xf32>
      %mul3A_91 = arith.mulf %bitcast3A_82, %sub3A_90 : vector<16xf32>
      %mul3A_92 = arith.constant 5.000000e-01 : f32
      %mul3A_93 = vector.broadcast %mul3A_92 : f32 to vector<16xf32>
      %mul3A_94 = arith.mulf %mul3A_93, %sub3A_76 : vector<16xf32>
      %mul3A_95 = arith.mulf %mul3A_94, %mul3A_91 : vector<16xf32>
      %mul3A_96 = arith.mulf %mul3A_95, %mul3A_91 : vector<16xf32>
      %sub3A_97 = arith.constant 1.500000e+00 : f32
      %sub3A_98 = vector.broadcast %sub3A_97 : f32 to vector<16xf32>
      %sub3A_99 = arith.subf %sub3A_98, %mul3A_96 : vector<16xf32>
      %mul3A_100 = arith.mulf %mul3A_91, %sub3A_99 : vector<16xf32>
      %mul3A_101 = arith.constant 5.000000e-01 : f32
      %mul3A_102 = vector.broadcast %mul3A_101 : f32 to vector<16xf32>
      %mul3A_103 = arith.mulf %mul3A_102, %sub3A_76 : vector<16xf32>
      %mul3A_104 = arith.mulf %mul3A_103, %mul3A_100 : vector<16xf32>
      %mul3A_105 = arith.mulf %mul3A_104, %mul3A_100 : vector<16xf32>
      %sub3A_106 = arith.constant 1.500000e+00 : f32
      %sub3A_107 = vector.broadcast %sub3A_106 : f32 to vector<16xf32>
      %sub3A_108 = arith.subf %sub3A_107, %mul3A_105 : vector<16xf32>
      %mul3A_109 = arith.mulf %mul3A_100, %sub3A_108 : vector<16xf32>
      %get3A_110 = arith.index_cast %scan3A_68 : i32 to index
      %get3A_111 = arith.constant 0 : index
      %get3A_112 = tpu.vector_load %arg12[%get3A_110, %get3A_111] {strides = array<i32>} : memref<640x16xf32, #tpu.memory_space<vmem>>, vector<16xf32>,
      %mul3A_113 = arith.mulf %get3A_112, %mul3A_109 : vector<16xf32>
      %swap3A = arith.index_cast %scan3A_68 : i32 to index
      %swap3A_114 = arith.constant 0 : index
      %swap3A_115 = tpu.vector_load %arg12[%swap3A, %swap3A_114] {strides = array<i32>} : memref<640x16xf32, #tpu.memory_space<vmem>>, vector<16xf32>,
      tpu.vector_store %arg12[%swap3A, %swap3A_114], %mul3A_113 {strides = array<i32>} : memref<640x16xf32, #tpu.memory_space<vmem>>, vector<16xf32>,
      %broadcast_in_dim3A = arith.constant 0.000000e+00 : f32
      %broadcast_in_dim3A_116 = vector.broadcast %broadcast_in_dim3A : f32 to vector<16xf32>
      %swap3A_117 = arith.index_cast %scan3A_68 : i32 to index
      %swap3A_118 = arith.constant 0 : index
      %swap3A_119 = tpu.vector_load %arg13[%swap3A_117, %swap3A_118] {strides = array<i32>} : memref<640x16xf32, #tpu.memory_space<vmem>>, vector<16xf32>,
      tpu.vector_store %arg13[%swap3A_117, %swap3A_118], %broadcast_in_dim3A_116 {strides = array<i32>} : memref<640x16xf32, #tpu.memory_space<vmem>>, vector<16xf32>,
    }
    %scan3A_12 = arith.constant 640 : i32
    "tpu.region"() ({
      %run_scoped3A_68 = tpu.sem_alloc : memref<!tpu.dma_semaphore, #tpu.memory_space<semaphore_mem>>
      %dma_start3A = arith.constant 0 : i32
      %dma_start3A_69 = tpu.memref_slice %arg7[%mul3A_2, %dma_start3A] : memref<10240x16xf32, #tpu.memory_space<vmem_shared>> -> memref<640x16xf32, #tpu.memory_space<vmem_shared>>
      %dma_start3A_70 = arith.constant 0 : i32
      %dma_start3A_71 = tpu.memref_slice %arg7[%mul3A_2, %dma_start3A_70] : memref<10240x16xf32, #tpu.memory_space<vmem_shared>> -> memref<640x16xf32, #tpu.memory_space<vmem_shared>>
      tpu.enqueue_dma source(%arg12 : memref<640x16xf32, #tpu.memory_space<vmem>>) target(%dma_start3A_71 : memref<640x16xf32, #tpu.memory_space<vmem_shared>>) target_semaphore(%run_scoped3A_68 : memref<!tpu.dma_semaphore, #tpu.memory_space<semaphore_mem>>)
      %dma_wait3A = arith.constant 0 : i32
      %dma_wait3A_72 = tpu.memref_slice %arg7[%mul3A_2, %dma_wait3A] : memref<10240x16xf32, #tpu.memory_space<vmem_shared>> -> memref<640x16xf32, #tpu.memory_space<vmem_shared>>
      %dma_wait3A_73 = arith.constant 0 : i32
      %dma_wait3A_74 = tpu.memref_slice %arg7[%mul3A_2, %dma_wait3A_73] : memref<10240x16xf32, #tpu.memory_space<vmem_shared>> -> memref<640x16xf32, #tpu.memory_space<vmem_shared>>
      tpu.wait_dma2 semaphore(%run_scoped3A_68 : memref<!tpu.dma_semaphore, #tpu.memory_space<semaphore_mem>>) src(%arg12 : memref<640x16xf32, #tpu.memory_space<vmem>>) dst(%dma_wait3A_74 : memref<640x16xf32, #tpu.memory_space<vmem_shared>>)
      tpu.yield
    }) : () -> ()
    %eq3A = arith.constant 0 : i32
    %eq3A_13 = arith.cmpi eq, %arg0, %eq3A : i32
    %convert_element_type3A = arith.extui %eq3A_13 : i1 to i32
    %cond3A = arith.constant 0 : i32
    %cond3A_14 = arith.cmpi ne, %convert_element_type3A, %cond3A : i32
    scf.if %cond3A_14 {
      "tpu.region"() ({
        %run_scoped3A_68 = tpu.sem_alloc : memref<!tpu.dma_semaphore, #tpu.memory_space<semaphore_mem>>
        %dma_start3A = arith.constant 0 : i32
        %dma_start3A_69 = tpu.memref_slice %arg8[%mul3A_2, %dma_start3A] : memref<10240x16xf32, #tpu.memory_space<vmem_shared>> -> memref<640x16xf32, #tpu.memory_space<vmem_shared>>
        %dma_start3A_70 = arith.constant 0 : i32
        %dma_start3A_71 = tpu.memref_slice %arg8[%mul3A_2, %dma_start3A_70] : memref<10240x16xf32, #tpu.memory_space<vmem_shared>> -> memref<640x16xf32, #tpu.memory_space<vmem_shared>>
        tpu.enqueue_dma source(%arg12 : memref<640x16xf32, #tpu.memory_space<vmem>>) target(%dma_start3A_71 : memref<640x16xf32, #tpu.memory_space<vmem_shared>>) target_semaphore(%run_scoped3A_68 : memref<!tpu.dma_semaphore, #tpu.memory_space<semaphore_mem>>)
        %dma_wait3A = arith.constant 0 : i32
        %dma_wait3A_72 = tpu.memref_slice %arg8[%mul3A_2, %dma_wait3A] : memref<10240x16xf32, #tpu.memory_space<vmem_shared>> -> memref<640x16xf32, #tpu.memory_space<vmem_shared>>
        %dma_wait3A_73 = arith.constant 0 : i32
        %dma_wait3A_74 = tpu.memref_slice %arg8[%mul3A_2, %dma_wait3A_73] : memref<10240x16xf32, #tpu.memory_space<vmem_shared>> -> memref<640x16xf32, #tpu.memory_space<vmem_shared>>
        tpu.wait_dma2 semaphore(%run_scoped3A_68 : memref<!tpu.dma_semaphore, #tpu.memory_space<semaphore_mem>>) src(%arg12 : memref<640x16xf32, #tpu.memory_space<vmem>>) dst(%dma_wait3A_74 : memref<640x16xf32, #tpu.memory_space<vmem_shared>>)
        tpu.yield
      }) : () -> ()
    } else {
    }
    %ne3A = arith.constant 0 : i32
    %ne3A_15 = arith.cmpi ne, %arg0, %ne3A : i32
    %convert_element_type3A_16 = arith.extui %ne3A_15 : i1 to i32
    %cond3A_17 = arith.constant 0 : i32
    %cond3A_18 = arith.cmpi ne, %convert_element_type3A_16, %cond3A_17 : i32
    scf.if %cond3A_18 {
      "tpu.region"() ({
        %run_scoped3A_68 = tpu.sem_alloc : memref<!tpu.dma_semaphore, #tpu.memory_space<semaphore_mem>>
        %dma_start3A = arith.constant 0 : i32
        %dma_start3A_69 = tpu.memref_slice %arg8[%mul3A_2, %dma_start3A] : memref<10240x16xf32, #tpu.memory_space<vmem_shared>> -> memref<640x16xf32, #tpu.memory_space<vmem_shared>>
        %dma_start3A_70 = arith.constant 0 : i32
        %dma_start3A_71 = tpu.memref_slice %arg8[%mul3A_2, %dma_start3A_70] : memref<10240x16xf32, #tpu.memory_space<vmem_shared>> -> memref<640x16xf32, #tpu.memory_space<vmem_shared>>
        tpu.enqueue_dma source(%arg13 : memref<640x16xf32, #tpu.memory_space<vmem>>) target(%dma_start3A_71 : memref<640x16xf32, #tpu.memory_space<vmem_shared>>) target_semaphore(%run_scoped3A_68 : memref<!tpu.dma_semaphore, #tpu.memory_space<semaphore_mem>>)
        %dma_wait3A = arith.constant 0 : i32
        %dma_wait3A_72 = tpu.memref_slice %arg8[%mul3A_2, %dma_wait3A] : memref<10240x16xf32, #tpu.memory_space<vmem_shared>> -> memref<640x16xf32, #tpu.memory_space<vmem_shared>>
        %dma_wait3A_73 = arith.constant 0 : i32
        %dma_wait3A_74 = tpu.memref_slice %arg8[%mul3A_2, %dma_wait3A_73] : memref<10240x16xf32, #tpu.memory_space<vmem_shared>> -> memref<640x16xf32, #tpu.memory_space<vmem_shared>>
        tpu.wait_dma2 semaphore(%run_scoped3A_68 : memref<!tpu.dma_semaphore, #tpu.memory_space<semaphore_mem>>) src(%arg13 : memref<640x16xf32, #tpu.memory_space<vmem>>) dst(%dma_wait3A_74 : memref<640x16xf32, #tpu.memory_space<vmem_shared>>)
        tpu.yield
      }) : () -> ()
    } else {
    }
    %barrier3A = arith.constant 0 : index
    tpu.barrier barrier_id(%barrier3A)
    %scan3A_19 = arith.constant 0 : i32
    %scan3A_20 = arith.constant 0 : i32
    %scan3A_21 = arith.constant 20 : i32
    %scan3A_22 = arith.addi %scan3A_20, %scan3A_21 : i32
    %scan3A_23 = arith.constant 1 : i32
    scf.for %scan3A_68 = %scan3A_20 to %scan3A_22 step %scan3A_23  : i32 {
      %add3A_69 = arith.constant 0 : i32
      %add3A_70 = arith.addi %add3A_69, %scan3A_68 : i32
      %dma_start3A = arith.constant 0 : i32
      %dma_start3A_71 = arith.constant 0 : i32
      %dma_start3A_72 = tpu.memref_slice %arg11[%scan3A_68, %dma_start3A, %dma_start3A_71] : memref<20x128x16xf32, #tpu.memory_space<vmem>> -> memref<1x128x16xf32, #tpu.memory_space<vmem>>
      %dma_start3A_73 = tpu.memref_squeeze %dma_start3A_72 : memref<1x128x16xf32, #tpu.memory_space<vmem>> -> memref<128x16xf32, #tpu.memory_space<vmem>>
      %dma_start3A_74 = arith.constant 0 : i32
      %dma_start3A_75 = tpu.memref_slice %arg9[%add3A_70, %dma_start3A_74] : memref<40x128xi32, #tpu.memory_space<vmem>> -> memref<1x128xi32, #tpu.memory_space<vmem>>
      %dma_start3A_76 = tpu.memref_squeeze %dma_start3A_75 : memref<1x128xi32, #tpu.memory_space<vmem>> -> memref<128xi32, #tpu.memory_space<vmem>>
      %dma_start3A_77 = arith.constant 0 : i32
      %dma_start3A_78 = arith.constant 0 : i32
      %dma_start3A_79 = tpu.memref_slice %arg7[%dma_start3A_77, %dma_start3A_78] : memref<10240x16xf32, #tpu.memory_space<vmem_shared>> -> memref<10240x16xf32, #tpu.memory_space<vmem_shared>>
      tpu.enqueue_indirect_dma source(%dma_start3A_79 : memref<10240x16xf32, #tpu.memory_space<vmem_shared>>) target(%dma_start3A_73 : memref<128x16xf32, #tpu.memory_space<vmem>>) offsets(%dma_start3A_76 : memref<128xi32, #tpu.memory_space<vmem>>) semaphore(%arg15 : memref<!tpu.dma_semaphore, #tpu.memory_space<semaphore_mem>>)
    }
    %scan3A_24 = arith.constant 20 : i32
    %scan3A_25 = arith.constant 0 : i32
    %scan3A_26 = arith.constant 0 : i32
    %scan3A_27 = arith.constant 20 : i32
    %scan3A_28 = arith.addi %scan3A_26, %scan3A_27 : i32
    %scan3A_29 = arith.constant 1 : i32
    scf.for %scan3A_68 = %scan3A_26 to %scan3A_28 step %scan3A_29  : i32 {
      %add3A_69 = arith.constant 0 : i32
      %add3A_70 = arith.addi %add3A_69, %scan3A_68 : i32
      %dma_wait3A = arith.constant 0 : i32
      %dma_wait3A_71 = arith.constant 0 : i32
      %dma_wait3A_72 = tpu.memref_slice %arg11[%scan3A_68, %dma_wait3A, %dma_wait3A_71] : memref<20x128x16xf32, #tpu.memory_space<vmem>> -> memref<1x128x16xf32, #tpu.memory_space<vmem>>
      %dma_wait3A_73 = tpu.memref_squeeze %dma_wait3A_72 : memref<1x128x16xf32, #tpu.memory_space<vmem>> -> memref<128x16xf32, #tpu.memory_space<vmem>>
      %dma_wait3A_74 = arith.constant 0 : i32
      %dma_wait3A_75 = tpu.memref_slice %arg9[%add3A_70, %dma_wait3A_74] : memref<40x128xi32, #tpu.memory_space<vmem>> -> memref<1x128xi32, #tpu.memory_space<vmem>>
      %dma_wait3A_76 = tpu.memref_squeeze %dma_wait3A_75 : memref<1x128xi32, #tpu.memory_space<vmem>> -> memref<128xi32, #tpu.memory_space<vmem>>
      %dma_wait3A_77 = arith.constant 0 : i32
      %dma_wait3A_78 = arith.constant 0 : i32
      %dma_wait3A_79 = tpu.memref_slice %arg7[%dma_wait3A_77, %dma_wait3A_78] : memref<10240x16xf32, #tpu.memory_space<vmem_shared>> -> memref<10240x16xf32, #tpu.memory_space<vmem_shared>>
      tpu.wait_indirect_dma semaphore(%arg15 : memref<!tpu.dma_semaphore, #tpu.memory_space<semaphore_mem>>) src(%dma_wait3A_79 : memref<10240x16xf32, #tpu.memory_space<vmem_shared>>) dst(%dma_wait3A_73 : memref<128x16xf32, #tpu.memory_space<vmem>>)
    }
    %scan3A_30 = arith.constant 20 : i32
    %scan3A_31 = arith.constant 0 : i32
    %scan3A_32 = arith.constant 0 : i32
    %scan3A_33 = arith.constant 20 : i32
    %scan3A_34 = arith.addi %scan3A_32, %scan3A_33 : i32
    %scan3A_35 = arith.constant 1 : i32
    scf.for %scan3A_68 = %scan3A_32 to %scan3A_34 step %scan3A_35  : i32 {
      %add3A_69 = arith.constant 0 : i32
      %add3A_70 = arith.addi %add3A_69, %scan3A_68 : i32
      %dma_start3A = arith.constant 0 : i32
      %dma_start3A_71 = arith.constant 0 : i32
      %dma_start3A_72 = tpu.memref_slice %arg11[%scan3A_68, %dma_start3A, %dma_start3A_71] : memref<20x128x16xf32, #tpu.memory_space<vmem>> -> memref<1x128x16xf32, #tpu.memory_space<vmem>>
      %dma_start3A_73 = tpu.memref_squeeze %dma_start3A_72 : memref<1x128x16xf32, #tpu.memory_space<vmem>> -> memref<128x16xf32, #tpu.memory_space<vmem>>
      %dma_start3A_74 = arith.constant 0 : i32
      %dma_start3A_75 = tpu.memref_slice %arg10[%add3A_70, %dma_start3A_74] : memref<40x128xi32, #tpu.memory_space<vmem>> -> memref<1x128xi32, #tpu.memory_space<vmem>>
      %dma_start3A_76 = tpu.memref_squeeze %dma_start3A_75 : memref<1x128xi32, #tpu.memory_space<vmem>> -> memref<128xi32, #tpu.memory_space<vmem>>
      %dma_start3A_77 = arith.constant 0 : i32
      %dma_start3A_78 = arith.constant 0 : i32
      %dma_start3A_79 = tpu.memref_slice %arg8[%dma_start3A_77, %dma_start3A_78] : memref<10240x16xf32, #tpu.memory_space<vmem_shared>> -> memref<10240x16xf32, #tpu.memory_space<vmem_shared>>
      tpu.enqueue_indirect_dma source(%dma_start3A_73 : memref<128x16xf32, #tpu.memory_space<vmem>>) target(%dma_start3A_79 : memref<10240x16xf32, #tpu.memory_space<vmem_shared>>) offsets(%dma_start3A_76 : memref<128xi32, #tpu.memory_space<vmem>>) semaphore(%arg16 : memref<!tpu.dma_semaphore, #tpu.memory_space<semaphore_mem>>) {add = true}
    }
    %scan3A_36 = arith.constant 20 : i32
    %scan3A_37 = arith.constant 0 : i32
    %scan3A_38 = arith.constant 0 : i32
    %scan3A_39 = arith.constant 20 : i32
    %scan3A_40 = arith.addi %scan3A_38, %scan3A_39 : i32
    %scan3A_41 = arith.constant 1 : i32
    scf.for %scan3A_68 = %scan3A_38 to %scan3A_40 step %scan3A_41  : i32 {
      %add3A_69 = arith.constant 0 : i32
      %add3A_70 = arith.addi %add3A_69, %scan3A_68 : i32
      %dma_wait3A = arith.constant 0 : i32
      %dma_wait3A_71 = arith.constant 0 : i32
      %dma_wait3A_72 = tpu.memref_slice %arg11[%scan3A_68, %dma_wait3A, %dma_wait3A_71] : memref<20x128x16xf32, #tpu.memory_space<vmem>> -> memref<1x128x16xf32, #tpu.memory_space<vmem>>
      %dma_wait3A_73 = tpu.memref_squeeze %dma_wait3A_72 : memref<1x128x16xf32, #tpu.memory_space<vmem>> -> memref<128x16xf32, #tpu.memory_space<vmem>>
      %dma_wait3A_74 = arith.constant 0 : i32
      %dma_wait3A_75 = tpu.memref_slice %arg10[%add3A_70, %dma_wait3A_74] : memref<40x128xi32, #tpu.memory_space<vmem>> -> memref<1x128xi32, #tpu.memory_space<vmem>>
      %dma_wait3A_76 = tpu.memref_squeeze %dma_wait3A_75 : memref<1x128xi32, #tpu.memory_space<vmem>> -> memref<128xi32, #tpu.memory_space<vmem>>
      %dma_wait3A_77 = arith.constant 0 : i32
      %dma_wait3A_78 = arith.constant 0 : i32
      %dma_wait3A_79 = tpu.memref_slice %arg8[%dma_wait3A_77, %dma_wait3A_78] : memref<10240x16xf32, #tpu.memory_space<vmem_shared>> -> memref<10240x16xf32, #tpu.memory_space<vmem_shared>>
      tpu.wait_indirect_dma semaphore(%arg16 : memref<!tpu.dma_semaphore, #tpu.memory_space<semaphore_mem>>) src(%dma_wait3A_73 : memref<128x16xf32, #tpu.memory_space<vmem>>) dst(%dma_wait3A_79 : memref<10240x16xf32, #tpu.memory_space<vmem_shared>>)
    }
    %scan3A_42 = arith.constant 20 : i32
    %scan3A_43 = arith.constant 0 : i32
    %scan3A_44 = arith.constant 0 : i32
    %scan3A_45 = arith.constant 20 : i32
    %scan3A_46 = arith.addi %scan3A_44, %scan3A_45 : i32
    %scan3A_47 = arith.constant 1 : i32
    scf.for %scan3A_68 = %scan3A_44 to %scan3A_46 step %scan3A_47  : i32 {
      %add3A_69 = arith.constant 20 : i32
      %add3A_70 = arith.addi %add3A_69, %scan3A_68 : i32
      %dma_start3A = arith.constant 0 : i32
      %dma_start3A_71 = arith.constant 0 : i32
      %dma_start3A_72 = tpu.memref_slice %arg11[%scan3A_68, %dma_start3A, %dma_start3A_71] : memref<20x128x16xf32, #tpu.memory_space<vmem>> -> memref<1x128x16xf32, #tpu.memory_space<vmem>>
      %dma_start3A_73 = tpu.memref_squeeze %dma_start3A_72 : memref<1x128x16xf32, #tpu.memory_space<vmem>> -> memref<128x16xf32, #tpu.memory_space<vmem>>
      %dma_start3A_74 = arith.constant 0 : i32
      %dma_start3A_75 = tpu.memref_slice %arg9[%add3A_70, %dma_start3A_74] : memref<40x128xi32, #tpu.memory_space<vmem>> -> memref<1x128xi32, #tpu.memory_space<vmem>>
      %dma_start3A_76 = tpu.memref_squeeze %dma_start3A_75 : memref<1x128xi32, #tpu.memory_space<vmem>> -> memref<128xi32, #tpu.memory_space<vmem>>
      %dma_start3A_77 = arith.constant 0 : i32
      %dma_start3A_78 = arith.constant 0 : i32
      %dma_start3A_79 = tpu.memref_slice %arg7[%dma_start3A_77, %dma_start3A_78] : memref<10240x16xf32, #tpu.memory_space<vmem_shared>> -> memref<10240x16xf32, #tpu.memory_space<vmem_shared>>
      tpu.enqueue_indirect_dma source(%dma_start3A_79 : memref<10240x16xf32, #tpu.memory_space<vmem_shared>>) target(%dma_start3A_73 : memref<128x16xf32, #tpu.memory_space<vmem>>) offsets(%dma_start3A_76 : memref<128xi32, #tpu.memory_space<vmem>>) semaphore(%arg15 : memref<!tpu.dma_semaphore, #tpu.memory_space<semaphore_mem>>)
    }
    %scan3A_48 = arith.constant 20 : i32
    %scan3A_49 = arith.constant 0 : i32
    %scan3A_50 = arith.constant 0 : i32
    %scan3A_51 = arith.constant 20 : i32
    %scan3A_52 = arith.addi %scan3A_50, %scan3A_51 : i32
    %scan3A_53 = arith.constant 1 : i32
    scf.for %scan3A_68 = %scan3A_50 to %scan3A_52 step %scan3A_53  : i32 {
      %add3A_69 = arith.constant 20 : i32
      %add3A_70 = arith.addi %add3A_69, %scan3A_68 : i32
      %dma_wait3A = arith.constant 0 : i32
      %dma_wait3A_71 = arith.constant 0 : i32
      %dma_wait3A_72 = tpu.memref_slice %arg11[%scan3A_68, %dma_wait3A, %dma_wait3A_71] : memref<20x128x16xf32, #tpu.memory_space<vmem>> -> memref<1x128x16xf32, #tpu.memory_space<vmem>>
      %dma_wait3A_73 = tpu.memref_squeeze %dma_wait3A_72 : memref<1x128x16xf32, #tpu.memory_space<vmem>> -> memref<128x16xf32, #tpu.memory_space<vmem>>
      %dma_wait3A_74 = arith.constant 0 : i32
      %dma_wait3A_75 = tpu.memref_slice %arg9[%add3A_70, %dma_wait3A_74] : memref<40x128xi32, #tpu.memory_space<vmem>> -> memref<1x128xi32, #tpu.memory_space<vmem>>
      %dma_wait3A_76 = tpu.memref_squeeze %dma_wait3A_75 : memref<1x128xi32, #tpu.memory_space<vmem>> -> memref<128xi32, #tpu.memory_space<vmem>>
      %dma_wait3A_77 = arith.constant 0 : i32
      %dma_wait3A_78 = arith.constant 0 : i32
      %dma_wait3A_79 = tpu.memref_slice %arg7[%dma_wait3A_77, %dma_wait3A_78] : memref<10240x16xf32, #tpu.memory_space<vmem_shared>> -> memref<10240x16xf32, #tpu.memory_space<vmem_shared>>
      tpu.wait_indirect_dma semaphore(%arg15 : memref<!tpu.dma_semaphore, #tpu.memory_space<semaphore_mem>>) src(%dma_wait3A_79 : memref<10240x16xf32, #tpu.memory_space<vmem_shared>>) dst(%dma_wait3A_73 : memref<128x16xf32, #tpu.memory_space<vmem>>)
    }
    %scan3A_54 = arith.constant 20 : i32
    %scan3A_55 = arith.constant 0 : i32
    %scan3A_56 = arith.constant 0 : i32
    %scan3A_57 = arith.constant 20 : i32
    %scan3A_58 = arith.addi %scan3A_56, %scan3A_57 : i32
    %scan3A_59 = arith.constant 1 : i32
    scf.for %scan3A_68 = %scan3A_56 to %scan3A_58 step %scan3A_59  : i32 {
      %add3A_69 = arith.constant 20 : i32
      %add3A_70 = arith.addi %add3A_69, %scan3A_68 : i32
      %dma_start3A = arith.constant 0 : i32
      %dma_start3A_71 = arith.constant 0 : i32
      %dma_start3A_72 = tpu.memref_slice %arg11[%scan3A_68, %dma_start3A, %dma_start3A_71] : memref<20x128x16xf32, #tpu.memory_space<vmem>> -> memref<1x128x16xf32, #tpu.memory_space<vmem>>
      %dma_start3A_73 = tpu.memref_squeeze %dma_start3A_72 : memref<1x128x16xf32, #tpu.memory_space<vmem>> -> memref<128x16xf32, #tpu.memory_space<vmem>>
      %dma_start3A_74 = arith.constant 0 : i32
      %dma_start3A_75 = tpu.memref_slice %arg10[%add3A_70, %dma_start3A_74] : memref<40x128xi32, #tpu.memory_space<vmem>> -> memref<1x128xi32, #tpu.memory_space<vmem>>
      %dma_start3A_76 = tpu.memref_squeeze %dma_start3A_75 : memref<1x128xi32, #tpu.memory_space<vmem>> -> memref<128xi32, #tpu.memory_space<vmem>>
      %dma_start3A_77 = arith.constant 0 : i32
      %dma_start3A_78 = arith.constant 0 : i32
      %dma_start3A_79 = tpu.memref_slice %arg8[%dma_start3A_77, %dma_start3A_78] : memref<10240x16xf32, #tpu.memory_space<vmem_shared>> -> memref<10240x16xf32, #tpu.memory_space<vmem_shared>>
      tpu.enqueue_indirect_dma source(%dma_start3A_73 : memref<128x16xf32, #tpu.memory_space<vmem>>) target(%dma_start3A_79 : memref<10240x16xf32, #tpu.memory_space<vmem_shared>>) offsets(%dma_start3A_76 : memref<128xi32, #tpu.memory_space<vmem>>) semaphore(%arg16 : memref<!tpu.dma_semaphore, #tpu.memory_space<semaphore_mem>>) {add = true}
    }
    %scan3A_60 = arith.constant 20 : i32
    %scan3A_61 = arith.constant 0 : i32
    %scan3A_62 = arith.constant 0 : i32
    %scan3A_63 = arith.constant 20 : i32
    %scan3A_64 = arith.addi %scan3A_62, %scan3A_63 : i32
    %scan3A_65 = arith.constant 1 : i32
    scf.for %scan3A_68 = %scan3A_62 to %scan3A_64 step %scan3A_65  : i32 {
      %add3A_69 = arith.constant 20 : i32
      %add3A_70 = arith.addi %add3A_69, %scan3A_68 : i32
      %dma_wait3A = arith.constant 0 : i32
      %dma_wait3A_71 = arith.constant 0 : i32
      %dma_wait3A_72 = tpu.memref_slice %arg11[%scan3A_68, %dma_wait3A, %dma_wait3A_71] : memref<20x128x16xf32, #tpu.memory_space<vmem>> -> memref<1x128x16xf32, #tpu.memory_space<vmem>>
      %dma_wait3A_73 = tpu.memref_squeeze %dma_wait3A_72 : memref<1x128x16xf32, #tpu.memory_space<vmem>> -> memref<128x16xf32, #tpu.memory_space<vmem>>
      %dma_wait3A_74 = arith.constant 0 : i32
      %dma_wait3A_75 = tpu.memref_slice %arg10[%add3A_70, %dma_wait3A_74] : memref<40x128xi32, #tpu.memory_space<vmem>> -> memref<1x128xi32, #tpu.memory_space<vmem>>
      %dma_wait3A_76 = tpu.memref_squeeze %dma_wait3A_75 : memref<1x128xi32, #tpu.memory_space<vmem>> -> memref<128xi32, #tpu.memory_space<vmem>>
      %dma_wait3A_77 = arith.constant 0 : i32
      %dma_wait3A_78 = arith.constant 0 : i32
      %dma_wait3A_79 = tpu.memref_slice %arg8[%dma_wait3A_77, %dma_wait3A_78] : memref<10240x16xf32, #tpu.memory_space<vmem_shared>> -> memref<10240x16xf32, #tpu.memory_space<vmem_shared>>
      tpu.wait_indirect_dma semaphore(%arg16 : memref<!tpu.dma_semaphore, #tpu.memory_space<semaphore_mem>>) src(%dma_wait3A_73 : memref<128x16xf32, #tpu.memory_space<vmem>>) dst(%dma_wait3A_79 : memref<10240x16xf32, #tpu.memory_space<vmem_shared>>)
    }
    %scan3A_66 = arith.constant 20 : i32
    %barrier3A_67 = arith.constant 0 : index
    tpu.barrier barrier_id(%barrier3A_67)
    "tpu.region"() ({
      %run_scoped3A_68 = tpu.sem_alloc : memref<!tpu.dma_semaphore, #tpu.memory_space<semaphore_mem>>
      %dma_start3A = arith.constant 0 : i32
      %dma_start3A_69 = tpu.memref_slice %arg6[%arg0, %mul3A_2, %dma_start3A] : memref<2x10240x16xf32, #tpu.memory_space<hbm>> -> memref<1x640x16xf32, #tpu.memory_space<hbm>>
      %dma_start3A_70 = tpu.memref_squeeze %dma_start3A_69 : memref<1x640x16xf32, #tpu.memory_space<hbm>> -> memref<640x16xf32, #tpu.memory_space<hbm>>
      %dma_start3A_71 = arith.constant 0 : i32
      %dma_start3A_72 = tpu.memref_slice %arg8[%mul3A_2, %dma_start3A_71] : memref<10240x16xf32, #tpu.memory_space<vmem_shared>> -> memref<640x16xf32, #tpu.memory_space<vmem_shared>>
      tpu.enqueue_dma source(%dma_start3A_72 : memref<640x16xf32, #tpu.memory_space<vmem_shared>>) target(%dma_start3A_70 : memref<640x16xf32, #tpu.memory_space<hbm>>) target_semaphore(%run_scoped3A_68 : memref<!tpu.dma_semaphore, #tpu.memory_space<semaphore_mem>>)
      %dma_wait3A = arith.constant 0 : i32
      %dma_wait3A_73 = tpu.memref_slice %arg6[%arg0, %mul3A_2, %dma_wait3A] : memref<2x10240x16xf32, #tpu.memory_space<hbm>> -> memref<1x640x16xf32, #tpu.memory_space<hbm>>
      %dma_wait3A_74 = tpu.memref_squeeze %dma_wait3A_73 : memref<1x640x16xf32, #tpu.memory_space<hbm>> -> memref<640x16xf32, #tpu.memory_space<hbm>>
      %dma_wait3A_75 = arith.constant 0 : i32
      %dma_wait3A_76 = tpu.memref_slice %arg8[%mul3A_2, %dma_wait3A_75] : memref<10240x16xf32, #tpu.memory_space<vmem_shared>> -> memref<640x16xf32, #tpu.memory_space<vmem_shared>>
      tpu.wait_dma2 semaphore(%run_scoped3A_68 : memref<!tpu.dma_semaphore, #tpu.memory_space<semaphore_mem>>) src(%dma_wait3A_76 : memref<640x16xf32, #tpu.memory_space<vmem_shared>>) dst(%dma_wait3A_74 : memref<640x16xf32, #tpu.memory_space<hbm>>)
      tpu.yield
    }) : () -> ()
    return
  }
}

#map = affine_map<(d0, d1) -> (0, 0)>
#map1 = affine_map<(d0, d1) -> (0, 0, 0)>
module attributes {stable_mosaic.version = 14 : i64} {
  func.func @_sc_degree(%arg0: i32, %arg1: i32, %arg2: memref<10240x16xf32, #tpu.memory_space<hbm>>, %arg3: memref<1280x128xi32, #tpu.memory_space<hbm>>, %arg4: memref<2x10240x16xf32, #tpu.memory_space<hbm>>, %arg5: memref<10240x16xf32, #tpu.memory_space<vmem_shared>>, %arg6: memref<40x128xi32, #tpu.memory_space<vmem>>, %arg7: memref<128x16xf32, #tpu.memory_space<vmem>>, %arg8: memref<!tpu.dma_semaphore, #tpu.memory_space<semaphore_mem>>) attributes {dimension_semantics = [#tpu.dimension_semantics<core_parallel>, #tpu.dimension_semantics<subcore_parallel>], iteration_bounds = array<i64: 2, 16>, scalar_prefetch = 0 : i64, scratch_operands = 4 : i64, tpu.core_type = #tpu.core_type<sc_vector_subcore>, window_params = [{transform_indices = #map}, {transform_indices = #map}, {transform_indices = #map1}]} {
    %mul3A = arith.constant 16 : i32
    %mul3A_0 = arith.muli %arg0, %mul3A : i32
    %add3A = arith.addi %mul3A_0, %arg1 : i32
    %mul3A_1 = arith.constant 640 : i32
    %mul3A_2 = arith.muli %arg1, %mul3A_1 : i32
    "tpu.region"() ({
      %run_scoped3A = tpu.sem_alloc : memref<!tpu.dma_semaphore, #tpu.memory_space<semaphore_mem>>
      %dma_start3A = arith.constant 0 : i32
      %dma_start3A_17 = tpu.memref_slice %arg5[%mul3A_2, %dma_start3A] : memref<10240x16xf32, #tpu.memory_space<vmem_shared>> -> memref<640x16xf32, #tpu.memory_space<vmem_shared>>
      %dma_start3A_18 = arith.constant 0 : i32
      %dma_start3A_19 = tpu.memref_slice %arg2[%mul3A_2, %dma_start3A_18] : memref<10240x16xf32, #tpu.memory_space<hbm>> -> memref<640x16xf32, #tpu.memory_space<hbm>>
      tpu.enqueue_dma source(%dma_start3A_19 : memref<640x16xf32, #tpu.memory_space<hbm>>) target(%dma_start3A_17 : memref<640x16xf32, #tpu.memory_space<vmem_shared>>) target_semaphore(%run_scoped3A : memref<!tpu.dma_semaphore, #tpu.memory_space<semaphore_mem>>)
      %dma_wait3A = arith.constant 0 : i32
      %dma_wait3A_20 = tpu.memref_slice %arg5[%mul3A_2, %dma_wait3A] : memref<10240x16xf32, #tpu.memory_space<vmem_shared>> -> memref<640x16xf32, #tpu.memory_space<vmem_shared>>
      %dma_wait3A_21 = arith.constant 0 : i32
      %dma_wait3A_22 = tpu.memref_slice %arg2[%mul3A_2, %dma_wait3A_21] : memref<10240x16xf32, #tpu.memory_space<hbm>> -> memref<640x16xf32, #tpu.memory_space<hbm>>
      tpu.wait_dma2 semaphore(%run_scoped3A : memref<!tpu.dma_semaphore, #tpu.memory_space<semaphore_mem>>) src(%dma_wait3A_22 : memref<640x16xf32, #tpu.memory_space<hbm>>) dst(%dma_wait3A_20 : memref<640x16xf32, #tpu.memory_space<vmem_shared>>)
      tpu.yield
    }) : () -> ()
    "tpu.region"() ({
      %run_scoped3A = tpu.sem_alloc : memref<!tpu.dma_semaphore, #tpu.memory_space<semaphore_mem>>
      %dma_start3A = arith.constant 0 : i32
      %dma_start3A_17 = arith.constant 0 : i32
      %dma_start3A_18 = tpu.memref_slice %arg2[%dma_start3A, %dma_start3A_17] : memref<10240x16xf32, #tpu.memory_space<hbm>> -> memref<128x16xf32, #tpu.memory_space<hbm>>
      %dma_start3A_19 = arith.constant 0 : i32
      %dma_start3A_20 = arith.constant 0 : i32
      %dma_start3A_21 = tpu.memref_slice %arg2[%dma_start3A_19, %dma_start3A_20] : memref<10240x16xf32, #tpu.memory_space<hbm>> -> memref<128x16xf32, #tpu.memory_space<hbm>>
      tpu.enqueue_dma source(%dma_start3A_21 : memref<128x16xf32, #tpu.memory_space<hbm>>) target(%arg7 : memref<128x16xf32, #tpu.memory_space<vmem>>) target_semaphore(%run_scoped3A : memref<!tpu.dma_semaphore, #tpu.memory_space<semaphore_mem>>)
      %dma_wait3A = arith.constant 0 : i32
      %dma_wait3A_22 = arith.constant 0 : i32
      %dma_wait3A_23 = tpu.memref_slice %arg2[%dma_wait3A, %dma_wait3A_22] : memref<10240x16xf32, #tpu.memory_space<hbm>> -> memref<128x16xf32, #tpu.memory_space<hbm>>
      %dma_wait3A_24 = arith.constant 0 : i32
      %dma_wait3A_25 = arith.constant 0 : i32
      %dma_wait3A_26 = tpu.memref_slice %arg2[%dma_wait3A_24, %dma_wait3A_25] : memref<10240x16xf32, #tpu.memory_space<hbm>> -> memref<128x16xf32, #tpu.memory_space<hbm>>
      tpu.wait_dma2 semaphore(%run_scoped3A : memref<!tpu.dma_semaphore, #tpu.memory_space<semaphore_mem>>) src(%dma_wait3A_26 : memref<128x16xf32, #tpu.memory_space<hbm>>) dst(%arg7 : memref<128x16xf32, #tpu.memory_space<vmem>>)
      tpu.yield
    }) : () -> ()
    %mul3A_3 = arith.constant 40 : i32
    %mul3A_4 = arith.muli %add3A, %mul3A_3 : i32
    "tpu.region"() ({
      %run_scoped3A = tpu.sem_alloc : memref<!tpu.dma_semaphore, #tpu.memory_space<semaphore_mem>>
      %dma_start3A = arith.constant 0 : i32
      %dma_start3A_17 = tpu.memref_slice %arg3[%mul3A_4, %dma_start3A] : memref<1280x128xi32, #tpu.memory_space<hbm>> -> memref<40x128xi32, #tpu.memory_space<hbm>>
      %dma_start3A_18 = arith.constant 0 : i32
      %dma_start3A_19 = tpu.memref_slice %arg3[%mul3A_4, %dma_start3A_18] : memref<1280x128xi32, #tpu.memory_space<hbm>> -> memref<40x128xi32, #tpu.memory_space<hbm>>
      tpu.enqueue_dma source(%dma_start3A_19 : memref<40x128xi32, #tpu.memory_space<hbm>>) target(%arg6 : memref<40x128xi32, #tpu.memory_space<vmem>>) target_semaphore(%run_scoped3A : memref<!tpu.dma_semaphore, #tpu.memory_space<semaphore_mem>>)
      %dma_wait3A = arith.constant 0 : i32
      %dma_wait3A_20 = tpu.memref_slice %arg3[%mul3A_4, %dma_wait3A] : memref<1280x128xi32, #tpu.memory_space<hbm>> -> memref<40x128xi32, #tpu.memory_space<hbm>>
      %dma_wait3A_21 = arith.constant 0 : i32
      %dma_wait3A_22 = tpu.memref_slice %arg3[%mul3A_4, %dma_wait3A_21] : memref<1280x128xi32, #tpu.memory_space<hbm>> -> memref<40x128xi32, #tpu.memory_space<hbm>>
      tpu.wait_dma2 semaphore(%run_scoped3A : memref<!tpu.dma_semaphore, #tpu.memory_space<semaphore_mem>>) src(%dma_wait3A_22 : memref<40x128xi32, #tpu.memory_space<hbm>>) dst(%arg6 : memref<40x128xi32, #tpu.memory_space<vmem>>)
      tpu.yield
    }) : () -> ()
    %barrier3A = arith.constant 0 : index
    tpu.barrier barrier_id(%barrier3A)
    %scan3A = arith.constant 0 : i32
    %scan3A_5 = arith.constant 0 : i32
    %scan3A_6 = arith.constant 40 : i32
    %scan3A_7 = arith.addi %scan3A_5, %scan3A_6 : i32
    %scan3A_8 = arith.constant 1 : i32
    scf.for %scan3A_17 = %scan3A_5 to %scan3A_7 step %scan3A_8  : i32 {
      %dma_start3A = arith.constant 0 : i32
      %dma_start3A_18 = tpu.memref_slice %arg6[%scan3A_17, %dma_start3A] : memref<40x128xi32, #tpu.memory_space<vmem>> -> memref<1x128xi32, #tpu.memory_space<vmem>>
      %dma_start3A_19 = tpu.memref_squeeze %dma_start3A_18 : memref<1x128xi32, #tpu.memory_space<vmem>> -> memref<128xi32, #tpu.memory_space<vmem>>
      %dma_start3A_20 = arith.constant 0 : i32
      %dma_start3A_21 = arith.constant 0 : i32
      %dma_start3A_22 = tpu.memref_slice %arg5[%dma_start3A_20, %dma_start3A_21] : memref<10240x16xf32, #tpu.memory_space<vmem_shared>> -> memref<10240x16xf32, #tpu.memory_space<vmem_shared>>
      tpu.enqueue_indirect_dma source(%arg7 : memref<128x16xf32, #tpu.memory_space<vmem>>) target(%dma_start3A_22 : memref<10240x16xf32, #tpu.memory_space<vmem_shared>>) offsets(%dma_start3A_19 : memref<128xi32, #tpu.memory_space<vmem>>) semaphore(%arg8 : memref<!tpu.dma_semaphore, #tpu.memory_space<semaphore_mem>>) {add = true}
    }
    %scan3A_9 = arith.constant 40 : i32
    %scan3A_10 = arith.constant 0 : i32
    %scan3A_11 = arith.constant 0 : i32
    %scan3A_12 = arith.constant 40 : i32
    %scan3A_13 = arith.addi %scan3A_11, %scan3A_12 : i32
    %scan3A_14 = arith.constant 1 : i32
    scf.for %scan3A_17 = %scan3A_11 to %scan3A_13 step %scan3A_14  : i32 {
      %dma_wait3A = arith.constant 0 : i32
      %dma_wait3A_18 = tpu.memref_slice %arg6[%scan3A_17, %dma_wait3A] : memref<40x128xi32, #tpu.memory_space<vmem>> -> memref<1x128xi32, #tpu.memory_space<vmem>>
      %dma_wait3A_19 = tpu.memref_squeeze %dma_wait3A_18 : memref<1x128xi32, #tpu.memory_space<vmem>> -> memref<128xi32, #tpu.memory_space<vmem>>
      %dma_wait3A_20 = arith.constant 0 : i32
      %dma_wait3A_21 = arith.constant 0 : i32
      %dma_wait3A_22 = tpu.memref_slice %arg5[%dma_wait3A_20, %dma_wait3A_21] : memref<10240x16xf32, #tpu.memory_space<vmem_shared>> -> memref<10240x16xf32, #tpu.memory_space<vmem_shared>>
      tpu.wait_indirect_dma semaphore(%arg8 : memref<!tpu.dma_semaphore, #tpu.memory_space<semaphore_mem>>) src(%arg7 : memref<128x16xf32, #tpu.memory_space<vmem>>) dst(%dma_wait3A_22 : memref<10240x16xf32, #tpu.memory_space<vmem_shared>>)
    }
    %scan3A_15 = arith.constant 40 : i32
    %barrier3A_16 = arith.constant 0 : index
    tpu.barrier barrier_id(%barrier3A_16)
    "tpu.region"() ({
      %run_scoped3A = tpu.sem_alloc : memref<!tpu.dma_semaphore, #tpu.memory_space<semaphore_mem>>
      %dma_start3A = arith.constant 0 : i32
      %dma_start3A_17 = tpu.memref_slice %arg4[%arg0, %mul3A_2, %dma_start3A] : memref<2x10240x16xf32, #tpu.memory_space<hbm>> -> memref<1x640x16xf32, #tpu.memory_space<hbm>>
      %dma_start3A_18 = tpu.memref_squeeze %dma_start3A_17 : memref<1x640x16xf32, #tpu.memory_space<hbm>> -> memref<640x16xf32, #tpu.memory_space<hbm>>
      %dma_start3A_19 = arith.constant 0 : i32
      %dma_start3A_20 = tpu.memref_slice %arg5[%mul3A_2, %dma_start3A_19] : memref<10240x16xf32, #tpu.memory_space<vmem_shared>> -> memref<640x16xf32, #tpu.memory_space<vmem_shared>>
      tpu.enqueue_dma source(%dma_start3A_20 : memref<640x16xf32, #tpu.memory_space<vmem_shared>>) target(%dma_start3A_18 : memref<640x16xf32, #tpu.memory_space<hbm>>) target_semaphore(%run_scoped3A : memref<!tpu.dma_semaphore, #tpu.memory_space<semaphore_mem>>)
      %dma_wait3A = arith.constant 0 : i32
      %dma_wait3A_21 = tpu.memref_slice %arg4[%arg0, %mul3A_2, %dma_wait3A] : memref<2x10240x16xf32, #tpu.memory_space<hbm>> -> memref<1x640x16xf32, #tpu.memory_space<hbm>>
      %dma_wait3A_22 = tpu.memref_squeeze %dma_wait3A_21 : memref<1x640x16xf32, #tpu.memory_space<hbm>> -> memref<640x16xf32, #tpu.memory_space<hbm>>
      %dma_wait3A_23 = arith.constant 0 : i32
      %dma_wait3A_24 = tpu.memref_slice %arg5[%mul3A_2, %dma_wait3A_23] : memref<10240x16xf32, #tpu.memory_space<vmem_shared>> -> memref<640x16xf32, #tpu.memory_space<vmem_shared>>
      tpu.wait_dma2 semaphore(%run_scoped3A : memref<!tpu.dma_semaphore, #tpu.memory_space<semaphore_mem>>) src(%dma_wait3A_24 : memref<640x16xf32, #tpu.memory_space<vmem_shared>>) dst(%dma_wait3A_22 : memref<640x16xf32, #tpu.memory_space<hbm>>)
      tpu.yield
    }) : () -> ()
    return
  }
}

#map = affine_map<(d0, d1) -> (0, 0)>
#map1 = affine_map<(d0, d1) -> (0, 0, 0)>
module attributes {stable_mosaic.version = 14 : i64} {
  func.func @_sc_propagate(%arg0: i32, %arg1: i32, %arg2: memref<10240x16xf32, #tpu.memory_space<hbm>>, %arg3: memref<1280x128xi32, #tpu.memory_space<hbm>>, %arg4: memref<1280x128xi32, #tpu.memory_space<hbm>>, %arg5: memref<2x10240x16xf32, #tpu.memory_space<hbm>>, %arg6: memref<10240x16xf32, #tpu.memory_space<vmem_shared>>, %arg7: memref<40x128xi32, #tpu.memory_space<vmem>>, %arg8: memref<40x128xi32, #tpu.memory_space<vmem>>, %arg9: memref<40x128x16xf32, #tpu.memory_space<vmem>>, %arg10: memref<!tpu.dma_semaphore, #tpu.memory_space<semaphore_mem>>, %arg11: memref<!tpu.dma_semaphore, #tpu.memory_space<semaphore_mem>>) attributes {dimension_semantics = [#tpu.dimension_semantics<core_parallel>, #tpu.dimension_semantics<subcore_parallel>], iteration_bounds = array<i64: 2, 16>, scalar_prefetch = 0 : i64, scratch_operands = 6 : i64, tpu.core_type = #tpu.core_type<sc_vector_subcore>, window_params = [{transform_indices = #map}, {transform_indices = #map}, {transform_indices = #map}, {transform_indices = #map1}]} {
    %mul3A = arith.constant 16 : i32
    %mul3A_0 = arith.muli %arg0, %mul3A : i32
    %add3A = arith.addi %mul3A_0, %arg1 : i32
    %mul3A_1 = arith.constant 640 : i32
    %mul3A_2 = arith.muli %arg1, %mul3A_1 : i32
    "tpu.region"() ({
      %run_scoped3A = tpu.sem_alloc : memref<!tpu.dma_semaphore, #tpu.memory_space<semaphore_mem>>
      %dma_start3A = arith.constant 0 : i32
      %dma_start3A_31 = tpu.memref_slice %arg6[%mul3A_2, %dma_start3A] : memref<10240x16xf32, #tpu.memory_space<vmem_shared>> -> memref<640x16xf32, #tpu.memory_space<vmem_shared>>
      %dma_start3A_32 = arith.constant 0 : i32
      %dma_start3A_33 = tpu.memref_slice %arg2[%mul3A_2, %dma_start3A_32] : memref<10240x16xf32, #tpu.memory_space<hbm>> -> memref<640x16xf32, #tpu.memory_space<hbm>>
      tpu.enqueue_dma source(%dma_start3A_33 : memref<640x16xf32, #tpu.memory_space<hbm>>) target(%dma_start3A_31 : memref<640x16xf32, #tpu.memory_space<vmem_shared>>) target_semaphore(%run_scoped3A : memref<!tpu.dma_semaphore, #tpu.memory_space<semaphore_mem>>)
      %dma_wait3A = arith.constant 0 : i32
      %dma_wait3A_34 = tpu.memref_slice %arg6[%mul3A_2, %dma_wait3A] : memref<10240x16xf32, #tpu.memory_space<vmem_shared>> -> memref<640x16xf32, #tpu.memory_space<vmem_shared>>
      %dma_wait3A_35 = arith.constant 0 : i32
      %dma_wait3A_36 = tpu.memref_slice %arg2[%mul3A_2, %dma_wait3A_35] : memref<10240x16xf32, #tpu.memory_space<hbm>> -> memref<640x16xf32, #tpu.memory_space<hbm>>
      tpu.wait_dma2 semaphore(%run_scoped3A : memref<!tpu.dma_semaphore, #tpu.memory_space<semaphore_mem>>) src(%dma_wait3A_36 : memref<640x16xf32, #tpu.memory_space<hbm>>) dst(%dma_wait3A_34 : memref<640x16xf32, #tpu.memory_space<vmem_shared>>)
      tpu.yield
    }) : () -> ()
    %mul3A_3 = arith.constant 40 : i32
    %mul3A_4 = arith.muli %add3A, %mul3A_3 : i32
    "tpu.region"() ({
      %run_scoped3A = tpu.sem_alloc : memref<!tpu.dma_semaphore, #tpu.memory_space<semaphore_mem>>
      %dma_start3A = arith.constant 0 : i32
      %dma_start3A_31 = tpu.memref_slice %arg3[%mul3A_4, %dma_start3A] : memref<1280x128xi32, #tpu.memory_space<hbm>> -> memref<40x128xi32, #tpu.memory_space<hbm>>
      %dma_start3A_32 = arith.constant 0 : i32
      %dma_start3A_33 = tpu.memref_slice %arg3[%mul3A_4, %dma_start3A_32] : memref<1280x128xi32, #tpu.memory_space<hbm>> -> memref<40x128xi32, #tpu.memory_space<hbm>>
      tpu.enqueue_dma source(%dma_start3A_33 : memref<40x128xi32, #tpu.memory_space<hbm>>) target(%arg7 : memref<40x128xi32, #tpu.memory_space<vmem>>) target_semaphore(%run_scoped3A : memref<!tpu.dma_semaphore, #tpu.memory_space<semaphore_mem>>)
      %dma_wait3A = arith.constant 0 : i32
      %dma_wait3A_34 = tpu.memref_slice %arg3[%mul3A_4, %dma_wait3A] : memref<1280x128xi32, #tpu.memory_space<hbm>> -> memref<40x128xi32, #tpu.memory_space<hbm>>
      %dma_wait3A_35 = arith.constant 0 : i32
      %dma_wait3A_36 = tpu.memref_slice %arg3[%mul3A_4, %dma_wait3A_35] : memref<1280x128xi32, #tpu.memory_space<hbm>> -> memref<40x128xi32, #tpu.memory_space<hbm>>
      tpu.wait_dma2 semaphore(%run_scoped3A : memref<!tpu.dma_semaphore, #tpu.memory_space<semaphore_mem>>) src(%dma_wait3A_36 : memref<40x128xi32, #tpu.memory_space<hbm>>) dst(%arg7 : memref<40x128xi32, #tpu.memory_space<vmem>>)
      tpu.yield
    }) : () -> ()
    %mul3A_5 = arith.constant 40 : i32
    %mul3A_6 = arith.muli %add3A, %mul3A_5 : i32
    "tpu.region"() ({
      %run_scoped3A = tpu.sem_alloc : memref<!tpu.dma_semaphore, #tpu.memory_space<semaphore_mem>>
      %dma_start3A = arith.constant 0 : i32
      %dma_start3A_31 = tpu.memref_slice %arg4[%mul3A_6, %dma_start3A] : memref<1280x128xi32, #tpu.memory_space<hbm>> -> memref<40x128xi32, #tpu.memory_space<hbm>>
      %dma_start3A_32 = arith.constant 0 : i32
      %dma_start3A_33 = tpu.memref_slice %arg4[%mul3A_6, %dma_start3A_32] : memref<1280x128xi32, #tpu.memory_space<hbm>> -> memref<40x128xi32, #tpu.memory_space<hbm>>
      tpu.enqueue_dma source(%dma_start3A_33 : memref<40x128xi32, #tpu.memory_space<hbm>>) target(%arg8 : memref<40x128xi32, #tpu.memory_space<vmem>>) target_semaphore(%run_scoped3A : memref<!tpu.dma_semaphore, #tpu.memory_space<semaphore_mem>>)
      %dma_wait3A = arith.constant 0 : i32
      %dma_wait3A_34 = tpu.memref_slice %arg4[%mul3A_6, %dma_wait3A] : memref<1280x128xi32, #tpu.memory_space<hbm>> -> memref<40x128xi32, #tpu.memory_space<hbm>>
      %dma_wait3A_35 = arith.constant 0 : i32
      %dma_wait3A_36 = tpu.memref_slice %arg4[%mul3A_6, %dma_wait3A_35] : memref<1280x128xi32, #tpu.memory_space<hbm>> -> memref<40x128xi32, #tpu.memory_space<hbm>>
      tpu.wait_dma2 semaphore(%run_scoped3A : memref<!tpu.dma_semaphore, #tpu.memory_space<semaphore_mem>>) src(%dma_wait3A_36 : memref<40x128xi32, #tpu.memory_space<hbm>>) dst(%arg8 : memref<40x128xi32, #tpu.memory_space<vmem>>)
      tpu.yield
    }) : () -> ()
    %barrier3A = arith.constant 0 : index
    tpu.barrier barrier_id(%barrier3A)
    %scan3A = arith.constant 0 : i32
    %scan3A_7 = arith.constant 0 : i32
    %scan3A_8 = arith.constant 40 : i32
    %scan3A_9 = arith.addi %scan3A_7, %scan3A_8 : i32
    %scan3A_10 = arith.constant 1 : i32
    scf.for %scan3A_31 = %scan3A_7 to %scan3A_9 step %scan3A_10  : i32 {
      %dma_start3A = arith.constant 0 : i32
      %dma_start3A_32 = arith.constant 0 : i32
      %dma_start3A_33 = tpu.memref_slice %arg9[%scan3A_31, %dma_start3A, %dma_start3A_32] : memref<40x128x16xf32, #tpu.memory_space<vmem>> -> memref<1x128x16xf32, #tpu.memory_space<vmem>>
      %dma_start3A_34 = tpu.memref_squeeze %dma_start3A_33 : memref<1x128x16xf32, #tpu.memory_space<vmem>> -> memref<128x16xf32, #tpu.memory_space<vmem>>
      %dma_start3A_35 = arith.constant 0 : i32
      %dma_start3A_36 = tpu.memref_slice %arg7[%scan3A_31, %dma_start3A_35] : memref<40x128xi32, #tpu.memory_space<vmem>> -> memref<1x128xi32, #tpu.memory_space<vmem>>
      %dma_start3A_37 = tpu.memref_squeeze %dma_start3A_36 : memref<1x128xi32, #tpu.memory_space<vmem>> -> memref<128xi32, #tpu.memory_space<vmem>>
      %dma_start3A_38 = arith.constant 0 : i32
      %dma_start3A_39 = arith.constant 0 : i32
      %dma_start3A_40 = tpu.memref_slice %arg2[%dma_start3A_38, %dma_start3A_39] : memref<10240x16xf32, #tpu.memory_space<hbm>> -> memref<10240x16xf32, #tpu.memory_space<hbm>>
      tpu.enqueue_indirect_dma source(%dma_start3A_40 : memref<10240x16xf32, #tpu.memory_space<hbm>>) target(%dma_start3A_34 : memref<128x16xf32, #tpu.memory_space<vmem>>) offsets(%dma_start3A_37 : memref<128xi32, #tpu.memory_space<vmem>>) semaphore(%arg10 : memref<!tpu.dma_semaphore, #tpu.memory_space<semaphore_mem>>)
    }
    %scan3A_11 = arith.constant 40 : i32
    %scan3A_12 = arith.constant 0 : i32
    %scan3A_13 = arith.constant 0 : i32
    %scan3A_14 = arith.constant 40 : i32
    %scan3A_15 = arith.addi %scan3A_13, %scan3A_14 : i32
    %scan3A_16 = arith.constant 1 : i32
    scf.for %scan3A_31 = %scan3A_13 to %scan3A_15 step %scan3A_16  : i32 {
      %dma_wait3A = arith.constant 0 : i32
      %dma_wait3A_32 = arith.constant 0 : i32
      %dma_wait3A_33 = tpu.memref_slice %arg9[%scan3A_31, %dma_wait3A, %dma_wait3A_32] : memref<40x128x16xf32, #tpu.memory_space<vmem>> -> memref<1x128x16xf32, #tpu.memory_space<vmem>>
      %dma_wait3A_34 = tpu.memref_squeeze %dma_wait3A_33 : memref<1x128x16xf32, #tpu.memory_space<vmem>> -> memref<128x16xf32, #tpu.memory_space<vmem>>
      %dma_wait3A_35 = arith.constant 0 : i32
      %dma_wait3A_36 = tpu.memref_slice %arg7[%scan3A_31, %dma_wait3A_35] : memref<40x128xi32, #tpu.memory_space<vmem>> -> memref<1x128xi32, #tpu.memory_space<vmem>>
      %dma_wait3A_37 = tpu.memref_squeeze %dma_wait3A_36 : memref<1x128xi32, #tpu.memory_space<vmem>> -> memref<128xi32, #tpu.memory_space<vmem>>
      %dma_wait3A_38 = arith.constant 0 : i32
      %dma_wait3A_39 = arith.constant 0 : i32
      %dma_wait3A_40 = tpu.memref_slice %arg2[%dma_wait3A_38, %dma_wait3A_39] : memref<10240x16xf32, #tpu.memory_space<hbm>> -> memref<10240x16xf32, #tpu.memory_space<hbm>>
      tpu.wait_indirect_dma semaphore(%arg10 : memref<!tpu.dma_semaphore, #tpu.memory_space<semaphore_mem>>) src(%dma_wait3A_40 : memref<10240x16xf32, #tpu.memory_space<hbm>>) dst(%dma_wait3A_34 : memref<128x16xf32, #tpu.memory_space<vmem>>)
    }
    %scan3A_17 = arith.constant 40 : i32
    %scan3A_18 = arith.constant 0 : i32
    %scan3A_19 = arith.constant 0 : i32
    %scan3A_20 = arith.constant 40 : i32
    %scan3A_21 = arith.addi %scan3A_19, %scan3A_20 : i32
    %scan3A_22 = arith.constant 1 : i32
    scf.for %scan3A_31 = %scan3A_19 to %scan3A_21 step %scan3A_22  : i32 {
      %dma_start3A = arith.constant 0 : i32
      %dma_start3A_32 = arith.constant 0 : i32
      %dma_start3A_33 = tpu.memref_slice %arg9[%scan3A_31, %dma_start3A, %dma_start3A_32] : memref<40x128x16xf32, #tpu.memory_space<vmem>> -> memref<1x128x16xf32, #tpu.memory_space<vmem>>
      %dma_start3A_34 = tpu.memref_squeeze %dma_start3A_33 : memref<1x128x16xf32, #tpu.memory_space<vmem>> -> memref<128x16xf32, #tpu.memory_space<vmem>>
      %dma_start3A_35 = arith.constant 0 : i32
      %dma_start3A_36 = tpu.memref_slice %arg8[%scan3A_31, %dma_start3A_35] : memref<40x128xi32, #tpu.memory_space<vmem>> -> memref<1x128xi32, #tpu.memory_space<vmem>>
      %dma_start3A_37 = tpu.memref_squeeze %dma_start3A_36 : memref<1x128xi32, #tpu.memory_space<vmem>> -> memref<128xi32, #tpu.memory_space<vmem>>
      %dma_start3A_38 = arith.constant 0 : i32
      %dma_start3A_39 = arith.constant 0 : i32
      %dma_start3A_40 = tpu.memref_slice %arg6[%dma_start3A_38, %dma_start3A_39] : memref<10240x16xf32, #tpu.memory_space<vmem_shared>> -> memref<10240x16xf32, #tpu.memory_space<vmem_shared>>
      tpu.enqueue_indirect_dma source(%dma_start3A_34 : memref<128x16xf32, #tpu.memory_space<vmem>>) target(%dma_start3A_40 : memref<10240x16xf32, #tpu.memory_space<vmem_shared>>) offsets(%dma_start3A_37 : memref<128xi32, #tpu.memory_space<vmem>>) semaphore(%arg11 : memref<!tpu.dma_semaphore, #tpu.memory_space<semaphore_mem>>) {add = true}
    }
    %scan3A_23 = arith.constant 40 : i32
    %scan3A_24 = arith.constant 0 : i32
    %scan3A_25 = arith.constant 0 : i32
    %scan3A_26 = arith.constant 40 : i32
    %scan3A_27 = arith.addi %scan3A_25, %scan3A_26 : i32
    %scan3A_28 = arith.constant 1 : i32
    scf.for %scan3A_31 = %scan3A_25 to %scan3A_27 step %scan3A_28  : i32 {
      %dma_wait3A = arith.constant 0 : i32
      %dma_wait3A_32 = arith.constant 0 : i32
      %dma_wait3A_33 = tpu.memref_slice %arg9[%scan3A_31, %dma_wait3A, %dma_wait3A_32] : memref<40x128x16xf32, #tpu.memory_space<vmem>> -> memref<1x128x16xf32, #tpu.memory_space<vmem>>
      %dma_wait3A_34 = tpu.memref_squeeze %dma_wait3A_33 : memref<1x128x16xf32, #tpu.memory_space<vmem>> -> memref<128x16xf32, #tpu.memory_space<vmem>>
      %dma_wait3A_35 = arith.constant 0 : i32
      %dma_wait3A_36 = tpu.memref_slice %arg8[%scan3A_31, %dma_wait3A_35] : memref<40x128xi32, #tpu.memory_space<vmem>> -> memref<1x128xi32, #tpu.memory_space<vmem>>
      %dma_wait3A_37 = tpu.memref_squeeze %dma_wait3A_36 : memref<1x128xi32, #tpu.memory_space<vmem>> -> memref<128xi32, #tpu.memory_space<vmem>>
      %dma_wait3A_38 = arith.constant 0 : i32
      %dma_wait3A_39 = arith.constant 0 : i32
      %dma_wait3A_40 = tpu.memref_slice %arg6[%dma_wait3A_38, %dma_wait3A_39] : memref<10240x16xf32, #tpu.memory_space<vmem_shared>> -> memref<10240x16xf32, #tpu.memory_space<vmem_shared>>
      tpu.wait_indirect_dma semaphore(%arg11 : memref<!tpu.dma_semaphore, #tpu.memory_space<semaphore_mem>>) src(%dma_wait3A_34 : memref<128x16xf32, #tpu.memory_space<vmem>>) dst(%dma_wait3A_40 : memref<10240x16xf32, #tpu.memory_space<vmem_shared>>)
    }
    %scan3A_29 = arith.constant 40 : i32
    %barrier3A_30 = arith.constant 0 : index
    tpu.barrier barrier_id(%barrier3A_30)
    "tpu.region"() ({
      %run_scoped3A = tpu.sem_alloc : memref<!tpu.dma_semaphore, #tpu.memory_space<semaphore_mem>>
      %dma_start3A = arith.constant 0 : i32
      %dma_start3A_31 = tpu.memref_slice %arg5[%arg0, %mul3A_2, %dma_start3A] : memref<2x10240x16xf32, #tpu.memory_space<hbm>> -> memref<1x640x16xf32, #tpu.memory_space<hbm>>
      %dma_start3A_32 = tpu.memref_squeeze %dma_start3A_31 : memref<1x640x16xf32, #tpu.memory_space<hbm>> -> memref<640x16xf32, #tpu.memory_space<hbm>>
      %dma_start3A_33 = arith.constant 0 : i32
      %dma_start3A_34 = tpu.memref_slice %arg6[%mul3A_2, %dma_start3A_33] : memref<10240x16xf32, #tpu.memory_space<vmem_shared>> -> memref<640x16xf32, #tpu.memory_space<vmem_shared>>
      tpu.enqueue_dma source(%dma_start3A_34 : memref<640x16xf32, #tpu.memory_space<vmem_shared>>) target(%dma_start3A_32 : memref<640x16xf32, #tpu.memory_space<hbm>>) target_semaphore(%run_scoped3A : memref<!tpu.dma_semaphore, #tpu.memory_space<semaphore_mem>>)
      %dma_wait3A = arith.constant 0 : i32
      %dma_wait3A_35 = tpu.memref_slice %arg5[%arg0, %mul3A_2, %dma_wait3A] : memref<2x10240x16xf32, #tpu.memory_space<hbm>> -> memref<1x640x16xf32, #tpu.memory_space<hbm>>
      %dma_wait3A_36 = tpu.memref_squeeze %dma_wait3A_35 : memref<1x640x16xf32, #tpu.memory_space<hbm>> -> memref<640x16xf32, #tpu.memory_space<hbm>>
      %dma_wait3A_37 = arith.constant 0 : i32
      %dma_wait3A_38 = tpu.memref_slice %arg6[%mul3A_2, %dma_wait3A_37] : memref<10240x16xf32, #tpu.memory_space<vmem_shared>> -> memref<640x16xf32, #tpu.memory_space<vmem_shared>>
      tpu.wait_dma2 semaphore(%run_scoped3A : memref<!tpu.dma_semaphore, #tpu.memory_space<semaphore_mem>>) src(%dma_wait3A_38 : memref<640x16xf32, #tpu.memory_space<vmem_shared>>) dst(%dma_wait3A_36 : memref<640x16xf32, #tpu.memory_space<hbm>>)
      tpu.yield
    }) : () -> ()
    return
  }
}

module attributes {stable_mosaic.version = 14 : i64} {
  func.func @_mm_body(%arg0: i32, %arg1: memref<500x512xf32, #tpu.memory_space<vmem>>, %arg2: memref<500x16xf32, #tpu.memory_space<vmem>>, %arg3: memref<512x16xf32, #tpu.memory_space<vmem>>) attributes {dimension_semantics = [#tpu.dimension_semantics<arbitrary>], iteration_bounds = array<i64: 20>, scalar_prefetch = 0 : i64, scratch_operands = 0 : i64, tpu.core_type = #tpu.core_type<tc>, window_params = [{transform_indices = @transform_0, window_bounds = array<i64: 500, 512>}, {pipeline_mode = #tpu.pipeline_mode<synchronous>, transform_indices = @transform_1, window_bounds = array<i64: 500, 16>}, {transform_indices = @transform_2, window_bounds = array<i64: 512, 16>}]} {
    %get3A = arith.constant 0 : index
    %get3A_0 = arith.constant 0 : index
    %get3A_1 = vector.load %arg1[%get3A, %get3A_0] : memref<500x512xf32, #tpu.memory_space<vmem>>, vector<500x512xf32>
    %get3A_2 = arith.constant 0 : index
    %get3A_3 = arith.constant 0 : index
    %get3A_4 = vector.load %arg2[%get3A_2, %get3A_3] : memref<500x16xf32, #tpu.memory_space<vmem>>, vector<500x16xf32>
    %dot_general3A = arith.constant dense<0.000000e+00> : vector<512x16xf32>
    %dot_general3A_5 = tpu.matmul %get3A_1, %get3A_4, %dot_general3A {dimension_numbers = #tpu.dot_dimension_numbers<[0], [0], [1], [1], [0, 1, 1, 1], [], []>, transpose_lhs_hint = false} : vector<500x512xf32>, vector<500x16xf32>, vector<512x16xf32> -> vector<512x16xf32>
    %mul3A = arith.constant 512 : i32
    %mul3A_6 = arith.muli %arg0, %mul3A : i32
    %iota3A = tpu.iota {dimensions = array<i32: 0>} : vector<512x16xi32>
    %add3A = vector.broadcast %mul3A_6 : i32 to vector<512x16xi32>
    %add3A_7 = arith.addi %add3A, %iota3A : vector<512x16xi32>
    %lt3A = arith.constant 10000 : i32
    %lt3A_8 = vector.broadcast %lt3A : i32 to vector<512x16xi32>
    %lt3A_9 = arith.cmpi slt, %add3A_7, %lt3A_8 : vector<512x16xi32>
    %jit3A = arith.constant 0.000000e+00 : f32
    %broadcast_in_dim3A = vector.broadcast %jit3A : f32 to vector<512x16xf32>
    %select_n3A = arith.select %lt3A_9, %dot_general3A_5, %broadcast_in_dim3A : vector<512x16xi1>, vector<512x16xf32>
    %swap3A = arith.constant 0 : index
    %swap3A_10 = arith.constant 0 : index
    %swap3A_11 = vector.load %arg3[%swap3A, %swap3A_10] : memref<512x16xf32, #tpu.memory_space<vmem>>, vector<512x16xf32>
    tpu.vector_store %arg3[%swap3A, %swap3A_10], %select_n3A {strides = array<i32>} : memref<512x16xf32, #tpu.memory_space<vmem>>, vector<512x16xf32>,
    return
  }
  func.func @transform_0(%arg0: i32) -> (i32, i32) {
    %c0_i32 = arith.constant 0 : i32
    %c0_i32_0 = arith.constant 0 : i32
    return %c0_i32, %arg0 : i32, i32
  }
  func.func @transform_1(%arg0: i32) -> (i32, i32) {
    %c0_i32 = arith.constant 0 : i32
    %c0_i32_0 = arith.constant 0 : i32
    %c0_i32_1 = arith.constant 0 : i32
    return %c0_i32, %c0_i32_0 : i32, i32
  }
  func.func @transform_2(%arg0: i32) -> (i32, i32) {
    %c0_i32 = arith.constant 0 : i32
    %c0_i32_0 = arith.constant 0 : i32
    return %arg0, %c0_i32 : i32, i32
  }
}

module attributes {stable_mosaic.version = 14 : i64} {
  func.func @_mid_body(%arg0: i32, %arg1: memref<2x64x128xf32, #tpu.memory_space<vmem>>, %arg2: memref<2x64x128xf32, #tpu.memory_space<vmem>>, %arg3: memref<1x128xf32, #tpu.memory_space<vmem>>, %arg4: memref<64x128xf32, #tpu.memory_space<vmem>>) attributes {dimension_semantics = [#tpu.dimension_semantics<arbitrary>], iteration_bounds = array<i64: 20>, scalar_prefetch = 0 : i64, scratch_operands = 0 : i64, tpu.core_type = #tpu.core_type<tc>, window_params = [{transform_indices = @transform_0, window_bounds = array<i64: 2, 64, 128>}, {transform_indices = @transform_1, window_bounds = array<i64: 2, 64, 128>}, {pipeline_mode = #tpu.pipeline_mode<synchronous>, transform_indices = @transform_2, window_bounds = array<i64: 1, 128>}, {transform_indices = @transform_3, window_bounds = array<i64: 64, 128>}]} {
    %get3A = arith.constant 0 : index
    %get3A_0 = arith.constant 0 : index
    %get3A_1 = arith.constant 0 : index
    %get3A_2 = vector.load %arg2[%get3A, %get3A_0, %get3A_1] : memref<2x64x128xf32, #tpu.memory_space<vmem>>, vector<1x64x128xf32>
    %get3A_3 = vector.shape_cast %get3A_2 : vector<1x64x128xf32> to vector<64x128xf32>
    %get3A_4 = arith.constant 1 : index
    %get3A_5 = arith.constant 0 : index
    %get3A_6 = arith.constant 0 : index
    %get3A_7 = vector.load %arg2[%get3A_4, %get3A_5, %get3A_6] : memref<2x64x128xf32, #tpu.memory_space<vmem>>, vector<1x64x128xf32>
    %get3A_8 = vector.shape_cast %get3A_7 : vector<1x64x128xf32> to vector<64x128xf32>
    %add3A = arith.addf %get3A_3, %get3A_8 : vector<64x128xf32>
    %sub3A = arith.constant 1.000000e+00 : f32
    %sub3A_9 = vector.broadcast %sub3A : f32 to vector<64x128xf32>
    %sub3A_10 = arith.subf %add3A, %sub3A_9 : vector<64x128xf32>
    %max3A = arith.constant 1.000000e+00 : f32
    %max3A_11 = vector.broadcast %max3A : f32 to vector<64x128xf32>
    %max3A_12 = arith.maximumf %sub3A_10, %max3A_11 : vector<64x128xf32>
    %rsqrt3A = math.rsqrt %max3A_12 : vector<64x128xf32>
    %get3A_13 = arith.constant 0 : index
    %get3A_14 = arith.constant 0 : index
    %get3A_15 = arith.constant 0 : index
    %get3A_16 = vector.load %arg1[%get3A_13, %get3A_14, %get3A_15] : memref<2x64x128xf32, #tpu.memory_space<vmem>>, vector<1x64x128xf32>
    %get3A_17 = vector.shape_cast %get3A_16 : vector<1x64x128xf32> to vector<64x128xf32>
    %get3A_18 = arith.constant 1 : index
    %get3A_19 = arith.constant 0 : index
    %get3A_20 = arith.constant 0 : index
    %get3A_21 = vector.load %arg1[%get3A_18, %get3A_19, %get3A_20] : memref<2x64x128xf32, #tpu.memory_space<vmem>>, vector<1x64x128xf32>
    %get3A_22 = vector.shape_cast %get3A_21 : vector<1x64x128xf32> to vector<64x128xf32>
    %add3A_23 = arith.addf %get3A_17, %get3A_22 : vector<64x128xf32>
    %mul3A = arith.mulf %rsqrt3A, %add3A_23 : vector<64x128xf32>
    %get3A_24 = arith.constant 0 : index
    %get3A_25 = arith.constant 0 : index
    %get3A_26 = vector.load %arg3[%get3A_24, %get3A_25] : memref<1x128xf32, #tpu.memory_space<vmem>>, vector<1x128xf32>
    %add3A_27 = vector.broadcast %get3A_26 : vector<1x128xf32> to vector<64x128xf32>
    %add3A_28 = arith.addf %mul3A, %add3A_27 : vector<64x128xf32>
    %max3A_29 = arith.constant 0.000000e+00 : f32
    %max3A_30 = vector.broadcast %max3A_29 : f32 to vector<64x128xf32>
    %max3A_31 = arith.maximumf %add3A_28, %max3A_30 : vector<64x128xf32>
    %mul3A_32 = arith.constant 64 : i32
    %mul3A_33 = arith.muli %arg0, %mul3A_32 : i32
    %iota3A = tpu.iota {dimensions = array<i32: 0>} : vector<64x128xi32>
    %add3A_34 = vector.broadcast %mul3A_33 : i32 to vector<64x128xi32>
    %add3A_35 = arith.addi %add3A_34, %iota3A : vector<64x128xi32>
    %lt3A = arith.constant 1250 : i32
    %lt3A_36 = vector.broadcast %lt3A : i32 to vector<64x128xi32>
    %lt3A_37 = arith.cmpi slt, %add3A_35, %lt3A_36 : vector<64x128xi32>
    %mul3A_38 = arith.mulf %rsqrt3A, %max3A_31 : vector<64x128xf32>
    %jit3A = arith.constant 0.000000e+00 : f32
    %broadcast_in_dim3A = vector.broadcast %jit3A : f32 to vector<64x128xf32>
    %select_n3A = arith.select %lt3A_37, %mul3A_38, %broadcast_in_dim3A : vector<64x128xi1>, vector<64x128xf32>
    %swap3A = arith.constant 0 : index
    %swap3A_39 = arith.constant 0 : index
    %swap3A_40 = vector.load %arg4[%swap3A, %swap3A_39] : memref<64x128xf32, #tpu.memory_space<vmem>>, vector<64x128xf32>
    tpu.vector_store %arg4[%swap3A, %swap3A_39], %select_n3A {strides = array<i32>} : memref<64x128xf32, #tpu.memory_space<vmem>>, vector<64x128xf32>,
    return
  }
  func.func @transform_0(%arg0: i32) -> (i32, i32, i32) {
    %c0_i32 = arith.constant 0 : i32
    %c0_i32_0 = arith.constant 0 : i32
    %c0_i32_1 = arith.constant 0 : i32
    return %c0_i32, %arg0, %c0_i32_0 : i32, i32, i32
  }
  func.func @transform_1(%arg0: i32) -> (i32, i32, i32) {
    %c0_i32 = arith.constant 0 : i32
    %c0_i32_0 = arith.constant 0 : i32
    %c0_i32_1 = arith.constant 0 : i32
    return %c0_i32, %arg0, %c0_i32_0 : i32, i32, i32
  }
  func.func @transform_2(%arg0: i32) -> (i32, i32) {
    %c0_i32 = arith.constant 0 : i32
    %c0_i32_0 = arith.constant 0 : i32
    %c0_i32_1 = arith.constant 0 : i32
    return %c0_i32, %c0_i32_0 : i32, i32
  }
  func.func @transform_3(%arg0: i32) -> (i32, i32) {
    %c0_i32 = arith.constant 0 : i32
    %c0_i32_0 = arith.constant 0 : i32
    return %arg0, %c0_i32 : i32, i32
  }
}

module attributes {stable_mosaic.version = 14 : i64} {
  func.func @_t_body(%arg0: i32, %arg1: memref<2x64x128xf32, #tpu.memory_space<vmem>>, %arg2: memref<2x64x128xf32, #tpu.memory_space<vmem>>, %arg3: memref<64x128xf32, #tpu.memory_space<vmem>>, %arg4: memref<64x128xf32, #tpu.memory_space<vmem>>) attributes {dimension_semantics = [#tpu.dimension_semantics<arbitrary>], iteration_bounds = array<i64: 20>, scalar_prefetch = 0 : i64, scratch_operands = 0 : i64, tpu.core_type = #tpu.core_type<tc>, window_params = [{transform_indices = @transform_0, window_bounds = array<i64: 2, 64, 128>}, {transform_indices = @transform_1, window_bounds = array<i64: 2, 64, 128>}, {transform_indices = @transform_2, window_bounds = array<i64: 64, 128>}, {transform_indices = @transform_3, window_bounds = array<i64: 64, 128>}]} {
    %get3A = arith.constant 0 : index
    %get3A_0 = arith.constant 0 : index
    %get3A_1 = arith.constant 0 : index
    %get3A_2 = vector.load %arg2[%get3A, %get3A_0, %get3A_1] : memref<2x64x128xf32, #tpu.memory_space<vmem>>, vector<1x64x128xf32>
    %get3A_3 = vector.shape_cast %get3A_2 : vector<1x64x128xf32> to vector<64x128xf32>
    %get3A_4 = arith.constant 1 : index
    %get3A_5 = arith.constant 0 : index
    %get3A_6 = arith.constant 0 : index
    %get3A_7 = vector.load %arg2[%get3A_4, %get3A_5, %get3A_6] : memref<2x64x128xf32, #tpu.memory_space<vmem>>, vector<1x64x128xf32>
    %get3A_8 = vector.shape_cast %get3A_7 : vector<1x64x128xf32> to vector<64x128xf32>
    %add3A = arith.addf %get3A_3, %get3A_8 : vector<64x128xf32>
    %sub3A = arith.constant 1.000000e+00 : f32
    %sub3A_9 = vector.broadcast %sub3A : f32 to vector<64x128xf32>
    %sub3A_10 = arith.subf %add3A, %sub3A_9 : vector<64x128xf32>
    %max3A = arith.constant 1.000000e+00 : f32
    %max3A_11 = vector.broadcast %max3A : f32 to vector<64x128xf32>
    %max3A_12 = arith.maximumf %sub3A_10, %max3A_11 : vector<64x128xf32>
    %rsqrt3A = math.rsqrt %max3A_12 : vector<64x128xf32>
    %get3A_13 = arith.constant 0 : index
    %get3A_14 = arith.constant 0 : index
    %get3A_15 = arith.constant 0 : index
    %get3A_16 = vector.load %arg1[%get3A_13, %get3A_14, %get3A_15] : memref<2x64x128xf32, #tpu.memory_space<vmem>>, vector<1x64x128xf32>
    %get3A_17 = vector.shape_cast %get3A_16 : vector<1x64x128xf32> to vector<64x128xf32>
    %get3A_18 = arith.constant 1 : index
    %get3A_19 = arith.constant 0 : index
    %get3A_20 = arith.constant 0 : index
    %get3A_21 = vector.load %arg1[%get3A_18, %get3A_19, %get3A_20] : memref<2x64x128xf32, #tpu.memory_space<vmem>>, vector<1x64x128xf32>
    %get3A_22 = vector.shape_cast %get3A_21 : vector<1x64x128xf32> to vector<64x128xf32>
    %add3A_23 = arith.addf %get3A_17, %get3A_22 : vector<64x128xf32>
    %get3A_24 = arith.constant 0 : index
    %get3A_25 = arith.constant 0 : index
    %get3A_26 = vector.load %arg3[%get3A_24, %get3A_25] : memref<64x128xf32, #tpu.memory_space<vmem>>, vector<64x128xf32>
    %sub3A_27 = arith.subf %add3A_23, %get3A_26 : vector<64x128xf32>
    %mul3A = arith.mulf %rsqrt3A, %sub3A_27 : vector<64x128xf32>
    %swap3A = arith.constant 0 : index
    %swap3A_28 = arith.constant 0 : index
    %swap3A_29 = vector.load %arg4[%swap3A, %swap3A_28] : memref<64x128xf32, #tpu.memory_space<vmem>>, vector<64x128xf32>
    tpu.vector_store %arg4[%swap3A, %swap3A_28], %mul3A {strides = array<i32>} : memref<64x128xf32, #tpu.memory_space<vmem>>, vector<64x128xf32>,
    return
  }
  func.func @transform_0(%arg0: i32) -> (i32, i32, i32) {
    %c0_i32 = arith.constant 0 : i32
    %c0_i32_0 = arith.constant 0 : i32
    %c0_i32_1 = arith.constant 0 : i32
    return %c0_i32, %arg0, %c0_i32_0 : i32, i32, i32
  }
  func.func @transform_1(%arg0: i32) -> (i32, i32, i32) {
    %c0_i32 = arith.constant 0 : i32
    %c0_i32_0 = arith.constant 0 : i32
    %c0_i32_1 = arith.constant 0 : i32
    return %c0_i32, %arg0, %c0_i32_0 : i32, i32, i32
  }
  func.func @transform_2(%arg0: i32) -> (i32, i32) {
    %c0_i32 = arith.constant 0 : i32
    %c0_i32_0 = arith.constant 0 : i32
    return %arg0, %c0_i32 : i32, i32
  }
  func.func @transform_3(%arg0: i32) -> (i32, i32) {
    %c0_i32 = arith.constant 0 : i32
    %c0_i32_0 = arith.constant 0 : i32
    return %arg0, %c0_i32 : i32, i32
  }
}

module attributes {stable_mosaic.version = 14 : i64} {
  func.func @_final_body(%arg0: i32, %arg1: memref<512x16xf32, #tpu.memory_space<vmem>>, %arg2: memref<3x16xf32, #tpu.memory_space<vmem>>, %arg3: memref<1x3xf32, #tpu.memory_space<vmem>>, %arg4: memref<512x3xf32, #tpu.memory_space<vmem>>) attributes {dimension_semantics = [#tpu.dimension_semantics<arbitrary>], iteration_bounds = array<i64: 20>, scalar_prefetch = 0 : i64, scratch_operands = 0 : i64, tpu.core_type = #tpu.core_type<tc>, window_params = [{transform_indices = @transform_0, window_bounds = array<i64: 512, 16>}, {pipeline_mode = #tpu.pipeline_mode<synchronous>, transform_indices = @transform_1, window_bounds = array<i64: 3, 16>}, {pipeline_mode = #tpu.pipeline_mode<synchronous>, transform_indices = @transform_2, window_bounds = array<i64: 1, 3>}, {transform_indices = @transform_3, window_bounds = array<i64: 512, 3>}]} {
    %get3A = arith.constant 0 : index
    %get3A_0 = arith.constant 0 : index
    %get3A_1 = vector.load %arg1[%get3A, %get3A_0] : memref<512x16xf32, #tpu.memory_space<vmem>>, vector<512x16xf32>
    %get3A_2 = arith.constant 0 : index
    %get3A_3 = arith.constant 0 : index
    %get3A_4 = vector.load %arg2[%get3A_2, %get3A_3] : memref<3x16xf32, #tpu.memory_space<vmem>>, vector<3x16xf32>
    %get3A_5 = arith.constant 0 : index
    %get3A_6 = arith.constant 0 : index
    %get3A_7 = vector.load %arg3[%get3A_5, %get3A_6] : memref<1x3xf32, #tpu.memory_space<vmem>>, vector<1x3xf32>
    %slice3A = vector.extract_strided_slice %get3A_4 {offsets = [0, 0], sizes = [1, 16], strides = [1, 1]} : vector<3x16xf32> to vector<1x16xf32>
    %mul3A = vector.broadcast %slice3A : vector<1x16xf32> to vector<512x16xf32>
    %mul3A_8 = arith.mulf %get3A_1, %mul3A : vector<512x16xf32>
    %reduce_sum3A = arith.constant dense<0.000000e+00> : vector<512xf32>
    %reduce_sum3A_9 = vector.multi_reduction <add>, %mul3A_8, %reduce_sum3A [1] : vector<512x16xf32> to vector<512xf32>
    %broadcast_in_dim3A = vector.shape_cast %reduce_sum3A_9 : vector<512xf32> to vector<512x1xf32>
    %slice3A_10 = vector.extract_strided_slice %get3A_7 {offsets = [0, 0], sizes = [1, 1], strides = [1, 1]} : vector<1x3xf32> to vector<1x1xf32>
    %squeeze3A = vector.extract %slice3A_10[0, 0] : f32 from vector<1x1xf32>
    %add3A = vector.broadcast %squeeze3A : f32 to vector<512x1xf32>
    %add3A_11 = arith.addf %broadcast_in_dim3A, %add3A : vector<512x1xf32>
    %slice3A_12 = vector.extract_strided_slice %get3A_4 {offsets = [1, 0], sizes = [1, 16], strides = [1, 1]} : vector<3x16xf32> to vector<1x16xf32>
    %mul3A_13 = vector.broadcast %slice3A_12 : vector<1x16xf32> to vector<512x16xf32>
    %mul3A_14 = arith.mulf %get3A_1, %mul3A_13 : vector<512x16xf32>
    %reduce_sum3A_15 = arith.constant dense<0.000000e+00> : vector<512xf32>
    %reduce_sum3A_16 = vector.multi_reduction <add>, %mul3A_14, %reduce_sum3A_15 [1] : vector<512x16xf32> to vector<512xf32>
    %broadcast_in_dim3A_17 = vector.shape_cast %reduce_sum3A_16 : vector<512xf32> to vector<512x1xf32>
    %slice3A_18 = vector.extract_strided_slice %get3A_7 {offsets = [0, 1], sizes = [1, 1], strides = [1, 1]} : vector<1x3xf32> to vector<1x1xf32>
    %squeeze3A_19 = vector.extract %slice3A_18[0, 0] : f32 from vector<1x1xf32>
    %add3A_20 = vector.broadcast %squeeze3A_19 : f32 to vector<512x1xf32>
    %add3A_21 = arith.addf %broadcast_in_dim3A_17, %add3A_20 : vector<512x1xf32>
    %slice3A_22 = vector.extract_strided_slice %get3A_4 {offsets = [2, 0], sizes = [1, 16], strides = [1, 1]} : vector<3x16xf32> to vector<1x16xf32>
    %mul3A_23 = vector.broadcast %slice3A_22 : vector<1x16xf32> to vector<512x16xf32>
    %mul3A_24 = arith.mulf %get3A_1, %mul3A_23 : vector<512x16xf32>
    %reduce_sum3A_25 = arith.constant dense<0.000000e+00> : vector<512xf32>
    %reduce_sum3A_26 = vector.multi_reduction <add>, %mul3A_24, %reduce_sum3A_25 [1] : vector<512x16xf32> to vector<512xf32>
    %broadcast_in_dim3A_27 = vector.shape_cast %reduce_sum3A_26 : vector<512xf32> to vector<512x1xf32>
    %slice3A_28 = vector.extract_strided_slice %get3A_7 {offsets = [0, 2], sizes = [1, 1], strides = [1, 1]} : vector<1x3xf32> to vector<1x1xf32>
    %squeeze3A_29 = vector.extract %slice3A_28[0, 0] : f32 from vector<1x1xf32>
    %add3A_30 = vector.broadcast %squeeze3A_29 : f32 to vector<512x1xf32>
    %add3A_31 = arith.addf %broadcast_in_dim3A_27, %add3A_30 : vector<512x1xf32>
    %max3A = arith.maximumf %add3A_11, %add3A_21 : vector<512x1xf32>
    %max3A_32 = arith.maximumf %max3A, %add3A_31 : vector<512x1xf32>
    %sub3A = arith.subf %add3A_11, %max3A_32 : vector<512x1xf32>
    %exp3A = math.exp %sub3A : vector<512x1xf32>
    %add3A_33 = arith.constant 0.000000e+00 : f32
    %add3A_34 = vector.broadcast %add3A_33 : f32 to vector<512x1xf32>
    %add3A_35 = arith.addf %add3A_34, %exp3A : vector<512x1xf32>
    %sub3A_36 = arith.subf %add3A_21, %max3A_32 : vector<512x1xf32>
    %exp3A_37 = math.exp %sub3A_36 : vector<512x1xf32>
    %add3A_38 = arith.addf %add3A_35, %exp3A_37 : vector<512x1xf32>
    %sub3A_39 = arith.subf %add3A_31, %max3A_32 : vector<512x1xf32>
    %exp3A_40 = math.exp %sub3A_39 : vector<512x1xf32>
    %add3A_41 = arith.addf %add3A_38, %exp3A_40 : vector<512x1xf32>
    %log3A = math.log %add3A_41 : vector<512x1xf32>
    %add3A_42 = arith.addf %max3A_32, %log3A : vector<512x1xf32>
    %sub3A_43 = arith.subf %add3A_11, %add3A_42 : vector<512x1xf32>
    %sub3A_44 = arith.subf %add3A_21, %add3A_42 : vector<512x1xf32>
    %sub3A_45 = arith.subf %add3A_31, %add3A_42 : vector<512x1xf32>
    %concatenate3A = tpu.concatenate %sub3A_43, %sub3A_44, %sub3A_45 in 1 : vector<512x1xf32>, vector<512x1xf32>, vector<512x1xf32> -> vector<512x3xf32>
    %swap3A = arith.constant 0 : index
    %swap3A_46 = arith.constant 0 : index
    %swap3A_47 = vector.load %arg4[%swap3A, %swap3A_46] : memref<512x3xf32, #tpu.memory_space<vmem>>, vector<512x3xf32>
    tpu.vector_store %arg4[%swap3A, %swap3A_46], %concatenate3A {strides = array<i32>} : memref<512x3xf32, #tpu.memory_space<vmem>>, vector<512x3xf32>,
    return
  }
  func.func @transform_0(%arg0: i32) -> (i32, i32) {
    %c0_i32 = arith.constant 0 : i32
    %c0_i32_0 = arith.constant 0 : i32
    return %arg0, %c0_i32 : i32, i32
  }
  func.func @transform_1(%arg0: i32) -> (i32, i32) {
    %c0_i32 = arith.constant 0 : i32
    %c0_i32_0 = arith.constant 0 : i32
    %c0_i32_1 = arith.constant 0 : i32
    return %c0_i32, %c0_i32_0 : i32, i32
  }
  func.func @transform_2(%arg0: i32) -> (i32, i32) {
    %c0_i32 = arith.constant 0 : i32
    %c0_i32_0 = arith.constant 0 : i32
    %c0_i32_1 = arith.constant 0 : i32
    return %c0_i32, %c0_i32_0 : i32, i32
  }
  func.func @transform_3(%arg0: i32) -> (i32, i32) {
    %c0_i32 = arith.constant 0 : i32
    %c0_i32_0 = arith.constant 0 : i32
    return %arg0, %c0_i32 : i32, i32
  }
}

</mosaic_0001>

<sc_bundles>
// kernel: kernel.12.cloned.1.call-start
scs
__scs_entry_jumppad:
0x0: {  	(pc) =	sbr.rel $0x88, $3  }
0x1: {  	(tag) =	ssettag $0x0;
	lr =	simm.s32 $0x1  }
0x2: {  	[smem:$0x3F9B] =	sst lr;
	_ =	strace $0xD0000000  }
0x3: {  	_ = 	snop  }
0x4: {  	_ = 	snop  }
0x5: {  	_ = 	snop  }
0x6: {  	_ = 	snop  }
0x7: {  	_ = 	snop  }
__scs_overlays_trampoline_lowered:
0x8: {  	[smem:$0x3FAA] =	sst s0  }
0x9: {  	[smem:$0x3FAB] =	sst s1  }
0xa: {  	[smem:$0x3FAC] =	sst s2  }
0xb: {  	[smem:$0x3FAD] =	sst s3  }
0xc: {  	[smem:$0x3FAE] =	sst s4  }
0xd: {  	[smem:$0x3FAF] =	sst s5  }
0xe: {  	[smem:$0x3FB0] =	sst s6  }
0xf: {  	[smem:$0x3FB1] =	sst s7  }
0x10: {  	[smem:$0x3FB2] =	sst s8  }
0x11: {  	[smem:$0x3FB3] =	sst s9;
	s0 =	simm.s32 @!p0 $0x0  }
0x12: {  	s1 =	sld [smem:$0x3F99];
	s0 =	simm.s32 @p0 $0x1  }
0x13: {  	[smem:$0x3FB4] =	sst s0;
	s0 =	simm.s32 @!p1 $0x0  }
0x14: {  	s2 =	sld [smem:$0x3F98];
	s0 =	simm.s32 @p1 $0x1  }
0x15: {  	[smem:$0x3FB5] =	sst s0;
	s0 =	simm.s32 @!p2 $0x0  }
0x16: {  	s3 =	sld [smem:$0x3FDB];
	s0 =	simm.s32 @p2 $0x1  }
0x17: {  	s4 =	simm.s32 $0x1BF5;
	[smem:$0x3FB7] =	sst s0  }
0x18: {  	s0 =	sld [smem:$0x3F9A];
	_ =	swait.ge [sflag:s4], $0x0  }
0x19: {  	s7 =	sld [smem:$0x3F9B]  }
0x1a: {  	s8 =	sadd.s32 $0xFFFFE003, lr  }
0x1b: {  	s9 =	sadd.s32 $0xFFFFFEF7, lr;
	s5 =	simm.s32 $0xFFFFFFFF;
	p2 =	slt.u32 s8, $0xFFFFF086  }
0x1c: {  	p1 =	slt.u32 s9, $0xF7A;
	s5 =	simm.s32 @!p2 $0x0  }
0x1d: {  	s5 =	simm.s32 @p1 $0x1;
	p0 =	seq.s32 s7, s2  }
0x1e: {  	s7 =	smul.u32 @!p0 $0xF7A, s2;
	p2 =	seq.s32 @!p0 s5, $0x0  }
0x1f: {  	s9 =	smul.u32 $0xF7A, s1;
	s8 =	simm.s32 @!p0 $0x1BF5;
	p2 =	por !p2, p0  }
0x20: {  	[sflag:s8] =	ssyncset.s32 @!p0 $0xFFFFF086;
	s6 =	sadd.s32 @!p0 s3, s7;
	s7 =	simm.s32 @!p0 $0x108  }
0x21: {  	s3 =	sadd.s32 s3, s9;
	s6 =	sadd.s32 @!p0 $0x88, s6;
	s7 =	simm.s32 @p2 $0x1082  }
0x22: {  	[simem:s7], [sflag:s8] =	dma.local @!p0 [hbm:s6], $0xF7A  }
0x23: {  	s9 =	sor.u32 $0xD0000000, s2;
	s6 =	simm.s32 $0x108;
	_ =	swait.ge @!p0 [sflag:s8], $0x0  }
0x24: {  	s3 =	sadd.s32 $0x88, s3;
	s6 =	simm.s32 @!p1 $0x1082;
	[sflag:s4] =	ssyncset.s32 $0xFFFFF086  }
0x25: {  	[simem:s6], [sflag:s4] =	dma.local [hbm:s3], $0xF7A  }
0x26: {  	[smem:$0x3F9B] =	sst s1;
	(tag) =	ssettag s2;
	_ =	strace s9  }
0x27: {  	s1 =	sld [smem:$0x3FAB]  }
0x28: {  	s2 =	sld [smem:$0x3FAC]  }
0x29: {  	s4 =	sld [smem:$0x3FAE]  }
0x2a: {  	p0 =	seq.s32 s5, $0x0;
	s5 =	sld [smem:$0x3FAF]  }
0x2b: {  	s6 =	sld [smem:$0x3FB0]  }
0x2c: {  	s7 =	sld [smem:$0x3FB1]  }
0x2d: {  	s3 =	simm.s32 $0x108;
	s8 =	sld [smem:$0x3FB2]  }
0x2e: {  	s3 =	simm.s32 @!p0 $0x1082;
	s9 =	sld [smem:$0x3FB3]  }
0x2f: {  	lr =	sadd.s32 s0, s3;
	s0 =	sld [smem:$0x3FAA]  }
0x30: {  	s3 =	sld [smem:$0x3FAD]  }
0x31: {  	[smem:$0x3FB6] =	sst s10  }
0x32: {  	s10 =	sld [smem:$0x3FB4];
	_ =	sdelay $0x3  }
0x33: {  	p0 =	seq.s32 s10, $0x1;
	s10 =	sld [smem:$0x3FB6];
	_ =	sdelay $0x3  }
0x34: {  	[smem:$0x3FB6] =	sst s10  }
0x35: {  	s10 =	sld [smem:$0x3FB5];
	_ =	sdelay $0x3  }
0x36: {  	p1 =	seq.s32 s10, $0x1;
	s10 =	sld [smem:$0x3FB6];
	_ =	sdelay $0x3  }
0x37: {  	[smem:$0x3FB6] =	sst s10  }
0x38: {  	s10 =	sld [smem:$0x3FB7]  }
0x39: {  	_ = 	snop;
	(pc) =	sbr.ind lr, $3  }
0x3a: {  	_ = 	snop  }
0x3b: {  	_ = 	snop  }
0x3c: {  	p2 =	seq.s32 s10, $0x1;
	s10 =	sld [smem:$0x3FB6]  }
0x3d: {  	_ =	shalt  }
0x3e: {  	_ =	shalt  }
0x3f: {  	_ =	shalt  }
0x40: {  	_ =	shalt  }
0x41: {  	_ =	shalt  }
0x42: {  	_ =	shalt  }
0x43: {  	_ =	shalt  }
0x44: {  	_ =	shalt  }
0x45: {  	_ =	shalt  }
0x46: {  	_ =	shalt  }
0x47: {  	_ =	shalt  }
0x48: {  	_ =	shalt  }
0x49: {  	_ =	shalt  }
0x4a: {  	_ =	shalt  }
0x4b: {  	_ =	shalt  }
0x4c: {  	_ =	shalt  }
0x4d: {  	_ =	shalt  }
0x4e: {  	_ =	shalt  }
0x4f: {  	_ =	shalt  }
0x50: {  	_ =	shalt  }
0x51: {  	_ =	shalt  }
0x52: {  	_ =	shalt  }
0x53: {  	_ =	shalt  }
0x54: {  	_ =	shalt  }
0x55: {  	_ =	shalt  }
0x56: {  	_ =	shalt  }
0x57: {  	_ =	shalt  }
0x58: {  	_ =	shalt  }
0x59: {  	_ =	shalt  }
0x5a: {  	_ =	shalt  }
0x5b: {  	_ =	shalt  }
0x5c: {  	_ =	shalt  }
0x5d: {  	_ =	shalt  }
0x5e: {  	_ =	shalt  }
0x5f: {  	_ =	shalt  }
0x60: {  	_ =	shalt  }
0x61: {  	_ =	shalt  }
0x62: {  	_ =	shalt  }
0x63: {  	_ =	shalt  }
0x64: {  	_ =	shalt  }
0x65: {  	_ =	shalt  }
0x66: {  	_ =	shalt  }
0x67: {  	_ =	shalt  }
0x68: {  	_ =	shalt  }
0x69: {  	_ =	shalt  }
0x6a: {  	_ =	shalt  }
0x6b: {  	_ =	shalt  }
0x6c: {  	_ =	shalt  }
0x6d: {  	_ =	shalt  }
0x6e: {  	_ =	shalt  }
0x6f: {  	_ =	shalt  }
0x70: {  	_ =	shalt  }
0x71: {  	_ =	shalt  }
0x72: {  	_ =	shalt  }
0x73: {  	_ =	shalt  }
0x74: {  	_ =	shalt  }
0x75: {  	_ =	shalt  }
0x76: {  	_ =	shalt  }
0x77: {  	_ =	shalt  }
0x78: {  	_ =	shalt  }
0x79: {  	_ =	shalt  }
0x7a: {  	_ =	shalt  }
0x7b: {  	_ =	shalt  }
0x7c: {  	_ =	shalt  }
0x7d: {  	_ =	shalt  }
0x7e: {  	_ =	shalt  }
0x7f: {  	_ =	shalt  }
0x80: {  	_ =	shalt  }
0x81: {  	_ =	shalt  }
0x82: {  	_ =	shalt  }
0x83: {  	_ =	shalt  }
0x84: {  	_ =	shalt  }
0x85: {  	_ =	shalt  }
0x86: {  	_ =	shalt  }
0x87: {  	_ =	shalt  }
.Lfunc_end0:
.L_simem_size_0:
called_computation.1_lowered:
.L_overlay_start_0:
0x88: {  	s2 =	sld [smem:$0x3FD9]  }
0x89: {  	s3 =	sld [smem:$0x3FFE];
	_ =	sdelay $0x1  }
0x8a: {  	s1 =	srdreg.scid  }
0x8b: {  	s0 =	sand.u32 $0x1, s1  }
0x8c: {  	s16 =	sshll.u32 s0, $0xA;
	s2 =	sadd.s32 s3, s2  }
0x8d: {  	s2 =	sadd.s32 s2, s16  }
0x8e: {  	[smem:$0x3FC2] =	sst s2  }
0x8f: {  	_ = 	snop  }
0x90: {  	(tm) =	ssettm $0x1  }
0x91: {  	s17 =	sld [smem:$0x3FFB];
	_ =	sdelay $0x3  }
0x92: {  	_ =	strace s17  }
0x93: {  	s2 =	sld [smem:$0x3FFC];
	_ =	sdelay $0x3  }
0x94: {  	_ =	strace s2  }
0x95: {  	s2 =	sld [smem:$0x3FFD];
	_ =	sdelay $0x3  }
0x96: {  	_ =	strace s2  }
0x97: {  	_ =	strace $0x8FFFFFFF  }
0x98: {  	s18 =	sld [smem:$0x3FDB];
	_ =	sdelay $0x1  }
0x99: {  	s19 =	simm.s32 $_scs_section_size  }
0x9a: {  	s4 =	simm.s32 $_size__tile_overlayer_lowered;
	s5 =	simm.s32 $_tile_overlayer_lowered  }
0x9b: {  	s22 =	simm.s32 $0x1BFF;
	s21 =	sshll.u32 s5, $0x1;
	s2 =	sadd.s32 s19, s18  }
0x9c: {  	s6 =	simm.s32 $0x0;
	s20 =	sshll.u32 s4, $0x1;
	s4 =	sadd.s32 s21, s2  }
0x9d: {  	[timem:s6], [sflag:s22] =	dma.local [hbm:s4], s20  }
0x9e: {  	_ =	swait.ge [sflag:s22], s20  }
0x9f: {  	s3 =	ssub.s32 $0x0, s20;
	[sflag:s22] =	ssyncset.done $0x0  }
0xa0: {  	[sflag:s22] =	ssyncadd.s32 s3;
	_ =	sdelay $0x1  }
0xa1: {  	s23 =	simm.s32 $0x1B8B  }
0xa2: {  	_ =	swait.ge [sflag:s23], $0x1  }
0xa3: {  	[sflag:s23] =	ssyncset.done $0x0  }
0xa4: {  	s25 =	simm.s32 $0x1B8E;
	s24 =	sld [smem:$0x3FFE];
	[sflag:s23] =	ssyncadd.s32 $0xFFFFFFFF  }
0xa5: {  	s26 =	simm.s32 $execute0_lowered;
	[smem:$0x3FD2] =	sst s25  }
0xa6: {  	s4 =	sshll.u32 s26, $0x1;
	_ =	strace $0x80000049;
	[dreg:$0x1] =	wrdreg $0xFFFFFFFF  }
0xa7: {  	s28 =	simm.s32 $_size_execute0_lowered;
	s2 =	sadd.s32 s2, s4;
	[dreg:$0x0] =	wrdreg $0x0  }
0xa8: {  	s4 =	sshll.u32 s28, $0x1;
	[dreg:$0x2] =	wrdreg s2  }
0xa9: {  	[dreg:$0x3] =	wrdreg s4  }
0xaa: {  	[dreg:$0x4] =	wrdreg $0xC0  }
0xab: {  	_ =	task [dreg:s6], $0x5FFFF  }
0xac: {  	[dreg:$0x1] =	wrdreg $0xFFFFFFFF  }
0xad: {  	[dreg:$0x0] =	wrdreg $0x60  }
0xae: {  	[dreg:$0x2] =	wrdreg s24  }
0xaf: {  	[dreg:$0x3] =	wrdreg $0x0  }
0xb0: {  	[dreg:$0x4] =	wrdreg $0x28000  }
0xb1: {  	[dreg:$0x5] =	wrdreg $0x9  }
0xb2: {  	_ =	task.clear_ibuf [dreg:s6], $0x6FFFF;
	_ =	strace $0x90000049  }
0xb3: {  	s29 =	simm.s32 $0x9;
	_ =	strace $0x8000004B  }
0xb4: {  	_ =	swait.ge [sflag:s29], $0x1  }
0xb5: {  	[sflag:s29] =	ssyncadd.s32 $0xFFFFFFFF  }
0xb6: {  	_ =	strace $0x9000004B  }
0xb7: {  	_ =	sfence  }
0xb8: {  	s30 =	sld [smem:$0x0];
	_ =	sdelay $0x2  }
0xb9: {  	s31 =	sshll.u32 s1, $0xD;
	s1 =	sshrl.u32 s1, $0x2  }
0xba: {  	s3 =	sand.u32 $0x4000, s31;
	s1 =	sadd.s32 s1, s30  }
0xbb: {  	s0 =	sor.u32 s3, s0;
	s1 =	sshll.u32 s1, $0x11  }
0xbc: {  	s0 =	sor.u32 s1, s0  }
0xbd: {  	s0 =	sadd.s32 $0x8F2B, s0  }
0xbe: {  	[sflag:s0] =	ssyncadd.remote.s32 $0x1  }
0xbf: {  	_ =	sfence.sel $0xFFFF  }
0xc0: {  	[dreg:$0x0] =	wrdreg $0xFFFFFFFF;
	(pc) =	sbr.abs _section_cstart, $3  }
0xc1: {  	[dreg:$0x1] =	wrdreg $0xFFFFFFFF  }
0xc2: {  	_ =	task.clear_ibuf [dreg:s6], $0x2FFFF;
	_ =	strace $0x9FFFFFFF  }
0xc3: {  	(tm) =	ssettm $0x7FFFFFFF  }
tec
execute0_lowered:
.L_overlay_start_1:
0x0: {  	(tag) =	ssettag $0x1  }
0x1: {  	s0 =	rddreg [dreg:$0x0]  }
0x2: {  	s2 =	rddreg [dreg:$0x1]  }
0x3: {  	s3 =	rddreg [dreg:$0x2]  }
0x4: {  	s9 =	stileid.u32;
	s1 =	srdreg.scid;
	s4 =	simm.s32 $0x0  }
0x5: {  	s16 =	simm.s32 $0x3;
	s19 =	simm.s32 $0x1;
	s12 =	simm.s32 $0x0  }
0x6: {  	s31 =	simm.s32 $0x8800;
	s17 =	simm.s32 $0x9000;
	s28 =	simm.s32 $0xA000  }
0x7: {  	s30 =	simm.s32 $0xC000;
	s18 =	simm.s32 $0xC800;
	s14 =	simm.s32 $0xD000  }
0x8: {  	s5 =	smul.u32 $0x2800, s9;
	s1 =	sand.u32 $0x1, s1;
	[smem:$0x7FF] =	sst s4  }
0x9: {  	s4 =	simm.s32 $0x10800;
	s6 =	sshll.u32 s1, $0x4;
	s7 =	smul.u32 $0x28000, s1  }
0xa: {  	_ =	strace $0x8000004A;
	s20 =	ssub.s32 $0x2, s1;
	p0 =	seq.s32 s1, $0x0  }
0xb: {  	s1 =	simm.s32 $0xB800;
	s8 =	sshrl.u32 s5, $0x3;
	s6 =	sor.u32 s9, s6  }
0xc: {  	s10 =	sshrl.u32 s20, $0x1;
	s25 =	sadd.s32 s5, s2;
	s26 =	sadd.s32 s5, s3  }
0xd: {  	s9 =	simm.s32 $0xF800;
	s6 =	smul.u32 $0x280, s6;
	s7 =	sadd.s32 s5, s7  }
0xe: {  	s8 =	sadd.s32 s8, s0;
	s21 =	ssub.s32 s20, s10;
	[dreg:$0x9] =	wrdreg s25  }
0xf: {  	[dreg:$0xa] =	wrdreg s26;
	s26 =	simm.s32 $0x6400;
	s20 =	simm.s32 $0x2  }
0x10: {  	s25 =	simm.s32 $0xB000;
	s5 =	simm.s32 $0xD800;
	s22 =	sadd.s32 $0x1A800, s8  }
0x11: {  	s10 =	simm.s32 $0x10000;
	s23 =	sadd.s32 $0x10800, s8;
	[dreg:$0x4] =	wrdreg s22  }
0x12: {  	s7 =	sshrl.u32 s7, $0x3;
	s8 =	sadd.s32 $0x15800, s8;
	[dreg:$0x5] =	wrdreg s23  }
0x13: {  	s29 =	smax.u32 s21, $0x1;
	s21 =	simm.s32 $0x80;
	[dreg:$0x6] =	wrdreg s8  }
0x14: {  	s6 =	sadd.s32 s6, s0;
	s0 =	sadd.s32 s7, s0;
	[dreg:$0xc] =	wrdreg s29  }
0x15: {  	s22 =	simm.s32 $0x11800;
	s23 =	simm.s32 $0x9800;
	s24 =	sadd.s32 $0x1800, s6  }
0x16: {  	s7 =	simm.s32 $0xE800;
	s0 =	sadd.s32 $0x1F800, s0;
	[dreg:$0x7] =	wrdreg s24  }
0x17: {  	s6 =	sadd.s32 $0x6800, s6;
	[dreg:$0xb] =	wrdreg s0;
	s0 =	simm.s32 $0x11800  }
0x18: {  	s8 =	simm.s32 $0xF000;
	[dreg:$0x8] =	wrdreg s6;
	s0 =	simm.s32 @!p0 $0x14000  }
0x19: {  	v0 =	vimm.f32 $0.0e+00;
	s24 =	simm.s32 $0x5000;
	s6 =	simm.s32 $0xE000;
	[dreg:$0xd] =	wrdreg s0  }
.LBB2_1:
0x1a: {  	s11 =	rddreg [dreg:$0x4];
	s0 =	simm.s32 $0x0  }
0x1b: {  	[tilespmem:s22], [sflag:$0x3] =	stream.linear.gather [hbm4b:s11+s0], $0x2800, $0x38;
	[tilespmem:$0x19000] =	vst v63  }
0x1c: {  	_ =	swait.ge [sflag:s16], $0x2800  }
0x1d: {  	[sflag:s16] =	ssyncset.done $0x0  }
0x1e: {  	s13 =	simm.s32 $0x14000;
	s29 =	rddreg [dreg:$0x5];
	[sflag:s16] =	ssyncadd.s32 $0xFFFFD800  }
0x1f: {  	[tilespmem:s13], [sflag:$0x3] =	stream.linear.gather [hbm4b:s29+s0], $0x2800, $0x38;
	[tilespmem:$0x19000] =	vst v63  }
0x20: {  	_ =	swait.ge [sflag:s16], $0x2800  }
0x21: {  	[sflag:s16] =	ssyncset.done $0x0  }
0x22: {  	s15 =	simm.s32 $0x16800;
	s13 =	rddreg [dreg:$0x6];
	[sflag:s16] =	ssyncadd.s32 $0xFFFFD800  }
0x23: {  	[tilespmem:s15], [sflag:$0x3] =	stream.linear.gather [hbm4b:s13+s0], $0x2800, $0x38;
	[tilespmem:$0x19000] =	vst v63  }
0x24: {  	_ =	swait.ge [sflag:s16], $0x2800  }
0x25: {  	[sflag:s16] =	ssyncset.done $0x0  }
0x26: {  	s22 =	rddreg [dreg:$0x7];
	[sflag:s16] =	ssyncadd.s32 $0xFFFFD800  }
0x27: {  	[tilespmem:s24], [sflag:$0x3] =	stream.linear.gather [hbm4b:s22+s0], $0x1400, $0x38;
	[tilespmem:$0x19000] =	vst v63  }
0x28: {  	_ =	swait.ge [sflag:s16], $0x1400  }
0x29: {  	[sflag:s16] =	ssyncset.done $0x0  }
0x2a: {  	s29 =	rddreg [dreg:$0x8];
	[sflag:s16] =	ssyncadd.s32 $0xFFFFEC00  }
0x2b: {  	[tilespmem:s26], [sflag:$0x3] =	stream.linear.gather [hbm4b:s29+s0], $0x1400, $0x38;
	[tilespmem:$0x19000] =	vst v63  }
0x2c: {  	_ =	swait.ge [sflag:s16], $0x1400  }
0x2d: {  	[sflag:s16] =	ssyncset.done $0x0  }
0x2e: {  	s22 =	simm.s32 $0x0;
	[sflag:s16] =	ssyncadd.s32 $0xFFFFEC00  }
0x2f: {  	v1 =	vld [tilespmem:s22+$0x14000]  }
0x30: {  	v2 =	vld [tilespmem:s22+$0x16800];
	_ =	sdelay $0x4  }
0x31: {  	s13 =	simm.s32 $0x10;
	[tilespmem:s22+$0x14000] =	vst v0;
	v1 =	vadd.f32 v2, v1  }
0x32: {  	v3 =	vld [tilespmem:s13+$0x16800]  }
0x33: {  	v2 =	vld [tilespmem:s13+$0x14000];
	v1 =	vadd.f32 $-1.000000000e+00, v1;
	_ =	sdelay $0x1  }
0x34: {  	v4 =	vshra.s32 v1, $0x1;
	v5 =	vmul.f32 $5.000000000e-01, v1  }
0x35: {  	v1 =	vsub.s32 $0x5F3759DF, v4  }
0x36: {  	v4 =	vmul.f32 v1, v5  }
0x37: {  	s11 =	simm.s32 $0x20;
	[tilespmem:s13+$0x14000] =	vst v0;
	v2 =	vadd.f32 v3, v2  }
0x38: {  	v6 =	vld [tilespmem:s11+$0x16800];
	v3 =	vmul.f32 v1, v4  }
0x39: {  	v2 =	vadd.f32 $-1.000000000e+00, v2;
	v4 =	vld [tilespmem:s11+$0x14000]  }
0x3a: {  	v3 =	vsub.f32 $1.500000000e+00, v3  }
0x3b: {  	v7 =	vshra.s32 v2, $0x1;
	v2 =	vmul.f32 $5.000000000e-01, v2  }
0x3c: {  	v7 =	vsub.s32 $0x5F3759DF, v7;
	v3 =	vmul.f32 v1, v3  }
0x3d: {  	v1 =	vmul.f32 v7, v2  }
0x3e: {  	s15 =	simm.s32 $0x30;
	[tilespmem:s11+$0x14000] =	vst v0;
	v4 =	vadd.f32 v6, v4;
	v8 =	vmul.f32 v3, v5  }
0x3f: {  	v10 =	vld [tilespmem:s15+$0x16800];
	v1 =	vmul.f32 v7, v1  }
0x40: {  	v4 =	vadd.f32 $-1.000000000e+00, v4;
	v6 =	vmul.f32 v8, v3;
	v8 =	vld [tilespmem:s15+$0x14000]  }
0x41: {  	v9 =	vsub.f32 $1.500000000e+00, v1  }
0x42: {  	v11 =	vshra.s32 v4, $0x1;
	v1 =	vmul.f32 $5.000000000e-01, v4;
	v6 =	vsub.f32 $1.500000000e+00, v6  }
0x43: {  	v12 =	vmul.f32 v7, v9;
	v9 =	vsub.s32 $0x5F3759DF, v11  }
0x44: {  	v11 =	vmul.f32 v6, v3;
	v3 =	vmul.f32 v9, v1  }
0x45: {  	v4 =	vmul.f32 v12, v2;
	v7 =	vadd.f32 v10, v8  }
0x46: {  	v5 =	vmul.f32 v11, v5;
	v3 =	vmul.f32 v9, v3  }
0x47: {  	s24 =	simm.s32 $0x40;
	[tilespmem:s15+$0x14000] =	vst v0;
	v4 =	vmul.f32 v4, v12;
	v8 =	vadd.f32 $-1.000000000e+00, v7  }
0x48: {  	v6 =	vld [tilespmem:s24+$0x14000];
	[tilespmem:s24+$0x14000] =	vst v0;
	v5 =	vmul.f32 v5, v11;
	v3 =	vsub.f32 $1.500000000e+00, v3  }
0x49: {  	v7 =	vld [tilespmem:s22+$0x11800];
	v10 =	vsub.f32 $1.500000000e+00, v4;
	v4 =	vmul.f32 $5.000000000e-01, v8  }
0x4a: {  	v13 =	vsub.f32 $1.500000000e+00, v5;
	v5 =	vshra.s32 v8, $0x1;
	v8 =	vmul.f32 v9, v3;
	v9 =	vld [tilespmem:s24+$0x16800];
	_ =	sdelay $0x1  }
0x4b: {  	s26 =	simm.s32 $0x140;
	v3 =	vmul.f32 v10, v12;
	v5 =	vsub.s32 $0x5F3759DF, v5;
	v10 =	vmul.f32 v13, v11  }
.LBB2_2:
0x4c: {  	p0 =	sne.s32 s26, $0x9FC0;
	v11 =	vmul.f32 v5, v4;
	v12 =	vmul.f32 v8, v1;
	v13 =	vmov v8;
	s29 =	smov.u32 s26;
	s26 =	sadd.s32 $0x40, s26  }
0x4d: {  	v8 =	vmul.f32 v3, v2;
	v7 =	vmul.f32 v10, v7;
	v2 =	vmovc v1;
	v1 =	vmov v4  }
0x4e: {  	s29 =	sshra.s32 s29, $0x2;
	v4 =	vadd.f32 v9, v6;
	v9 =	vmul.f32 v5, v11;
	v10 =	vmul.f32 v12, v13  }
.Ltmp0:
0x4f: {  	v6 =	vld [tilespmem:s29+$0x14000];
	v8 =	vmul.f32 v8, v3;
	[tilespmem:s22+$0x11800] =	vst v7;
	s22 =	smov.u32 s13;
	s13 =	smov.u32 s11;
	(pc) =	sbr.rel @p0 .LBB2_2-.Ltmp0, $4  }
0x50: {  	s11 =	smov.u32 s15;
	s15 =	smov.u32 s24;
	s24 =	smov.u32 s29;
	[tilespmem:s29+$0x14000] =	vst v0;
	v4 =	vadd.f32 $-1.000000000e+00, v4;
	v11 =	vsub.f32 $1.500000000e+00, v9;
	v7 =	vld [tilespmem:s22+$0x11800]  }
0x51: {  	v12 =	vsub.f32 $1.500000000e+00, v10;
	v9 =	vld [tilespmem:s24+$0x16800];
	v10 =	vsub.f32 $1.500000000e+00, v8  }
0x52: {  	v14 =	vshra.s32 v4, $0x1;
	v4 =	vmul.f32 $5.000000000e-01, v4;
	v8 =	vmul.f32 v5, v11  }
0x53: {  	v5 =	vsub.s32 $0x5F3759DF, v14;
	v10 =	vmul.f32 v10, v3;
	v3 =	vmul.f32 v12, v13  }
0x54: {  	v11 =	vmul.f32 v5, v4;
	v12 =	vmul.f32 v8, v1  }
0x55: {  	v2 =	vmul.f32 v3, v2;
	v7 =	vmul.f32 v10, v7  }
0x56: {  	v6 =	vadd.f32 v9, v6;
	v53 =	vmul.f32 v5, v11  }
0x57: {  	v54 =	vmul.f32 v12, v8;
	[tilespmem:s22+$0x11800] =	vst v7;
	v2 =	vmul.f32 v2, v3  }
0x58: {  	v6 =	vadd.f32 $-1.000000000e+00, v6;
	v9 =	vsub.f32 $1.500000000e+00, v53;
	v55 =	vld [tilespmem:s13+$0x11800]  }
0x59: {  	v7 =	vsub.f32 $1.500000000e+00, v54;
	v2 =	vsub.f32 $1.500000000e+00, v2  }
0x5a: {  	v56 =	vshra.s32 v6, $0x1;
	v6 =	vmul.f32 $5.000000000e-01, v6;
	v57 =	vmul.f32 v5, v9  }
0x5b: {  	v7 =	vmul.f32 v7, v8;
	v58 =	vsub.s32 $0x5F3759DF, v56;
	v2 =	vmul.f32 v2, v3  }
0x5c: {  	v3 =	vmul.f32 v58, v6;
	v59 =	vmul.f32 v57, v4  }
0x5d: {  	v1 =	vmul.f32 v7, v1;
	v2 =	vmul.f32 v2, v55  }
0x5e: {  	v3 =	vmul.f32 v58, v3  }
0x5f: {  	v1 =	vmul.f32 v1, v7;
	[tilespmem:s13+$0x11800] =	vst v2;
	v2 =	vmul.f32 v59, v57  }
0x60: {  	v3 =	vsub.f32 $1.500000000e+00, v3;
	v60 =	vld [tilespmem:s11+$0x11800]  }
0x61: {  	v1 =	vsub.f32 $1.500000000e+00, v1;
	v2 =	vsub.f32 $1.500000000e+00, v2  }
0x62: {  	v3 =	vmul.f32 v58, v3  }
0x63: {  	v1 =	vmul.f32 v1, v7;
	v2 =	vmul.f32 v2, v57  }
0x64: {  	v61 =	vmul.f32 v3, v6  }
0x65: {  	v62 =	vmul.f32 v2, v4;
	v1 =	vmul.f32 v1, v60;
	_ =	sdelay $0x1  }
0x66: {  	[tilespmem:s11+$0x11800] =	vst v1;
	v1 =	vmul.f32 v61, v3;
	v4 =	vmul.f32 v62, v2  }
0x67: {  	v63 =	vld [tilespmem:s15+$0x11800]  }
0x68: {  	v1 =	vsub.f32 $1.500000000e+00, v1;
	v4 =	vsub.f32 $1.500000000e+00, v4;
	_ =	sdelay $0x1  }
0x69: {  	v1 =	vmul.f32 v1, v3;
	v2 =	vmul.f32 v4, v2;
	_ =	sdelay $0x1  }
0x6a: {  	v3 =	vmul.f32 v1, v6;
	v2 =	vmul.f32 v2, v63;
	_ =	sdelay $0x1  }
0x6b: {  	v3 =	vmul.f32 v3, v1;
	[tilespmem:s15+$0x11800] =	vst v2  }
0x6c: {  	v2 =	vld [tilespmem:s24+$0x11800]  }
0x6d: {  	v3 =	vsub.f32 $1.500000000e+00, v3;
	_ =	sdelay $0x1  }
0x6e: {  	v1 =	vmul.f32 v3, v1;
	_ =	sdelay $0x1  }
0x6f: {  	v1 =	vmul.f32 v1, v2;
	_ =	sdelay $0x1  }
0x70: {  	s22 =	simm.s32 $0x11800;
	s15 =	rddreg [dreg:$0x9];
	[tilespmem:s24+$0x11800] =	vst v1  }
0x71: {  	[spmem:s15] =	stream.linear.scatter [tilespmem:s22], [sflag:$0x3], $0x2800, $0x38;
	[tilespmem:$0x19000] =	vst v63  }
0x72: {  	_ =	swait.ge [sflag:s16], $0x2800  }
0x73: {  	[sflag:s16] =	ssyncset.done $0x0;
	s0 =	rddreg [dreg:$0xa]  }
0x74: {  	s24 =	rddreg [dreg:$0xd];
	[sflag:s16] =	ssyncadd.s32 $0xFFFFD800  }
0x75: {  	[spmem:s0] =	stream.linear.scatter [tilespmem:s24], [sflag:$0x3], $0x2800, $0x38;
	[tilespmem:$0x19000] =	vst v63  }
0x76: {  	_ =	swait.ge [sflag:s16], $0x2800  }
0x77: {  	[sflag:s16] =	ssyncset.done $0x0  }
0x78: {  	[sflag:s16] =	ssyncadd.s32 $0xFFFFD800  }
0x79: {  	s11 =	simm.s32 $0x7800;
	s24 =	simm.s32 $0x5000;
	[bflag:$0x0] =	sbarrier.arrive $0xFFFF  }
0x7a: {  	[tilespmem:s11], [sflag:$0x1] =	stream.indirect.gather [spmem:s2], $0x10, s24, s21, $0xb8;
	[tilespmem:$0x19000] =	vst v63  }
0x7b: {  	s26 =	simm.s32 $0x5080;
	s29 =	simm.s32 $0x8000  }
0x7c: {  	[tilespmem:s29], [sflag:$0x1] =	stream.indirect.gather [spmem:s2], $0x10, s26, s21, $0xb8;
	[tilespmem:$0x19000] =	vst v63  }
0x7d: {  	s0 =	simm.s32 $0x5100  }
0x7e: {  	[tilespmem:s31], [sflag:$0x1] =	stream.indirect.gather [spmem:s2], $0x10, s0, s21, $0xb8;
	[tilespmem:$0x19000] =	vst v63  }
0x7f: {  	s13 =	simm.s32 $0x5180  }
0x80: {  	[tilespmem:s17], [sflag:$0x1] =	stream.indirect.gather [spmem:s2], $0x10, s13, s21, $0xb8;
	[tilespmem:$0x19000] =	vst v63  }
0x81: {  	s26 =	simm.s32 $0x5200  }
0x82: {  	[tilespmem:s23], [sflag:$0x1] =	stream.indirect.gather [spmem:s2], $0x10, s26, s21, $0xb8;
	[tilespmem:$0x19000] =	vst v63  }
0x83: {  	s0 =	simm.s32 $0x5280  }
0x84: {  	[tilespmem:s28], [sflag:$0x1] =	stream.indirect.gather [spmem:s2], $0x10, s0, s21, $0xb8;
	[tilespmem:$0x19000] =	vst v63  }
0x85: {  	s13 =	simm.s32 $0x5300;
	s0 =	simm.s32 $0xA800  }
0x86: {  	[tilespmem:s0], [sflag:$0x1] =	stream.indirect.gather [spmem:s2], $0x10, s13, s21, $0xb8;
	[tilespmem:$0x19000] =	vst v63  }
0x87: {  	s26 =	simm.s32 $0x5380  }
0x88: {  	[tilespmem:s25], [sflag:$0x1] =	stream.indirect.gather [spmem:s2], $0x10, s26, s21, $0xb8;
	[tilespmem:$0x19000] =	vst v63  }
0x89: {  	s13 =	simm.s32 $0x5400  }
0x8a: {  	[tilespmem:s1], [sflag:$0x1] =	stream.indirect.gather [spmem:s2], $0x10, s13, s21, $0xb8;
	[tilespmem:$0x19000] =	vst v63  }
0x8b: {  	s26 =	simm.s32 $0x5480  }
0x8c: {  	[tilespmem:s30], [sflag:$0x1] =	stream.indirect.gather [spmem:s2], $0x10, s26, s21, $0xb8;
	[tilespmem:$0x19000] =	vst v63  }
0x8d: {  	s13 =	simm.s32 $0x5500  }
0x8e: {  	[tilespmem:s18], [sflag:$0x1] =	stream.indirect.gather [spmem:s2], $0x10, s13, s21, $0xb8;
	[tilespmem:$0x19000] =	vst v63  }
0x8f: {  	s26 =	simm.s32 $0x5580  }
0x90: {  	[tilespmem:s14], [sflag:$0x1] =	stream.indirect.gather [spmem:s2], $0x10, s26, s21, $0xb8;
	[tilespmem:$0x19000] =	vst v63  }
0x91: {  	s13 =	simm.s32 $0x5600  }
0x92: {  	[tilespmem:s5], [sflag:$0x1] =	stream.indirect.gather [spmem:s2], $0x10, s13, s21, $0xb8;
	[tilespmem:$0x19000] =	vst v63  }
0x93: {  	s26 =	simm.s32 $0x5680  }
0x94: {  	[tilespmem:s6], [sflag:$0x1] =	stream.indirect.gather [spmem:s2], $0x10, s26, s21, $0xb8;
	[tilespmem:$0x19000] =	vst v63  }
0x95: {  	s13 =	simm.s32 $0x5700  }
0x96: {  	[tilespmem:s7], [sflag:$0x1] =	stream.indirect.gather [spmem:s2], $0x10, s13, s21, $0xb8;
	[tilespmem:$0x19000] =	vst v63  }
0x97: {  	s26 =	simm.s32 $0x5780  }
0x98: {  	[tilespmem:s8], [sflag:$0x1] =	stream.indirect.gather [spmem:s2], $0x10, s26, s21, $0xb8;
	[tilespmem:$0x19000] =	vst v63  }
0x99: {  	s13 =	simm.s32 $0x5800  }
0x9a: {  	[tilespmem:s9], [sflag:$0x1] =	stream.indirect.gather [spmem:s2], $0x10, s13, s21, $0xb8;
	[tilespmem:$0x19000] =	vst v63  }
0x9b: {  	s26 =	simm.s32 $0x5880  }
0x9c: {  	[tilespmem:s10], [sflag:$0x1] =	stream.indirect.gather [spmem:s2], $0x10, s26, s21, $0xb8;
	[tilespmem:$0x19000] =	vst v63  }
0x9d: {  	s13 =	simm.s32 $0x5900  }
0x9e: {  	[tilespmem:s4], [sflag:$0x1] =	stream.indirect.gather [spmem:s2], $0x10, s13, s21, $0xb8;
	[tilespmem:$0x19000] =	vst v63  }
0x9f: {  	s26 =	simm.s32 $0x5980;
	s13 =	simm.s32 $0x11000  }
0xa0: {  	[tilespmem:s13], [sflag:$0x1] =	stream.indirect.gather [spmem:s2], $0x10, s26, s21, $0xb8;
	[tilespmem:$0x19000] =	vst v63  }
0xa1: {  	_ =	swait.ge [sflag:s19], $0x800  }
0xa2: {  	[sflag:s19] =	ssyncset.done $0x0  }
0xa3: {  	[sflag:s19] =	ssyncadd.s32 $0xFFFFF800  }
0xa4: {  	_ =	swait.ge [sflag:s19], $0x800  }
0xa5: {  	[sflag:s19] =	ssyncset.done $0x0  }
0xa6: {  	[sflag:s19] =	ssyncadd.s32 $0xFFFFF800  }
0xa7: {  	_ =	swait.ge [sflag:s19], $0x800  }
0xa8: {  	[sflag:s19] =	ssyncset.done $0x0  }
0xa9: {  	[sflag:s19] =	ssyncadd.s32 $0xFFFFF800  }
0xaa: {  	_ =	swait.ge [sflag:s19], $0x800  }
0xab: {  	[sflag:s19] =	ssyncset.done $0x0  }
0xac: {  	[sflag:s19] =	ssyncadd.s32 $0xFFFFF800  }
0xad: {  	_ =	swait.ge [sflag:s19], $0x800  }
0xae: {  	[sflag:s19] =	ssyncset.done $0x0  }
0xaf: {  	[sflag:s19] =	ssyncadd.s32 $0xFFFFF800  }
0xb0: {  	_ =	swait.ge [sflag:s19], $0x800  }
0xb1: {  	[sflag:s19] =	ssyncset.done $0x0  }
0xb2: {  	[sflag:s19] =	ssyncadd.s32 $0xFFFFF800  }
0xb3: {  	_ =	swait.ge [sflag:s19], $0x800  }
0xb4: {  	[sflag:s19] =	ssyncset.done $0x0  }
0xb5: {  	[sflag:s19] =	ssyncadd.s32 $0xFFFFF800  }
0xb6: {  	_ =	swait.ge [sflag:s19], $0x800  }
0xb7: {  	[sflag:s19] =	ssyncset.done $0x0  }
0xb8: {  	[sflag:s19] =	ssyncadd.s32 $0xFFFFF800  }
0xb9: {  	_ =	swait.ge [sflag:s19], $0x800  }
0xba: {  	[sflag:s19] =	ssyncset.done $0x0  }
0xbb: {  	[sflag:s19] =	ssyncadd.s32 $0xFFFFF800  }
0xbc: {  	_ =	swait.ge [sflag:s19], $0x800  }
0xbd: {  	[sflag:s19] =	ssyncset.done $0x0  }
0xbe: {  	[sflag:s19] =	ssyncadd.s32 $0xFFFFF800  }
0xbf: {  	_ =	swait.ge [sflag:s19], $0x800  }
0xc0: {  	[sflag:s19] =	ssyncset.done $0x0  }
0xc1: {  	[sflag:s19] =	ssyncadd.s32 $0xFFFFF800  }
0xc2: {  	_ =	swait.ge [sflag:s19], $0x800  }
0xc3: {  	[sflag:s19] =	ssyncset.done $0x0  }
0xc4: {  	[sflag:s19] =	ssyncadd.s32 $0xFFFFF800  }
0xc5: {  	_ =	swait.ge [sflag:s19], $0x800  }
0xc6: {  	[sflag:s19] =	ssyncset.done $0x0  }
0xc7: {  	[sflag:s19] =	ssyncadd.s32 $0xFFFFF800  }
0xc8: {  	_ =	swait.ge [sflag:s19], $0x800  }
0xc9: {  	[sflag:s19] =	ssyncset.done $0x0  }
0xca: {  	[sflag:s19] =	ssyncadd.s32 $0xFFFFF800  }
0xcb: {  	_ =	swait.ge [sflag:s19], $0x800  }
0xcc: {  	[sflag:s19] =	ssyncset.done $0x0  }
0xcd: {  	[sflag:s19] =	ssyncadd.s32 $0xFFFFF800  }
0xce: {  	_ =	swait.ge [sflag:s19], $0x800  }
0xcf: {  	[sflag:s19] =	ssyncset.done $0x0  }
0xd0: {  	[sflag:s19] =	ssyncadd.s32 $0xFFFFF800  }
0xd1: {  	_ =	swait.ge [sflag:s19], $0x800  }
0xd2: {  	[sflag:s19] =	ssyncset.done $0x0  }
0xd3: {  	[sflag:s19] =	ssyncadd.s32 $0xFFFFF800  }
0xd4: {  	_ =	swait.ge [sflag:s19], $0x800  }
0xd5: {  	[sflag:s19] =	ssyncset.done $0x0  }
0xd6: {  	[sflag:s19] =	ssyncadd.s32 $0xFFFFF800  }
0xd7: {  	_ =	swait.ge [sflag:s19], $0x800  }
0xd8: {  	[sflag:s19] =	ssyncset.done $0x0  }
0xd9: {  	[sflag:s19] =	ssyncadd.s32 $0xFFFFF800  }
0xda: {  	_ =	swait.ge [sflag:s19], $0x800  }
0xdb: {  	[sflag:s19] =	ssyncset.done $0x0  }
0xdc: {  	s26 =	simm.s32 $0x6400;
	[sflag:s19] =	ssyncadd.s32 $0xFFFFF800  }
0xdd: {  	[spmem:s3] =	stream.indirect.scatter.add.f32 [tilespmem:s11], [sflag:$0x2], $0x10, s26, s21, $0xb8;
	[tilespmem:$0x19000] =	vst v63  }
0xde: {  	s15 =	simm.s32 $0x6480  }
0xdf: {  	[spmem:s3] =	stream.indirect.scatter.add.f32 [tilespmem:s29], [sflag:$0x2], $0x10, s15, s21, $0xb8;
	[tilespmem:$0x19000] =	vst v63  }
0xe0: {  	s15 =	simm.s32 $0x6500  }
0xe1: {  	[spmem:s3] =	stream.indirect.scatter.add.f32 [tilespmem:s31], [sflag:$0x2], $0x10, s15, s21, $0xb8;
	[tilespmem:$0x19000] =	vst v63  }
0xe2: {  	s15 =	simm.s32 $0x6580  }
0xe3: {  	[spmem:s3] =	stream.indirect.scatter.add.f32 [tilespmem:s17], [sflag:$0x2], $0x10, s15, s21, $0xb8;
	[tilespmem:$0x19000] =	vst v63  }
0xe4: {  	s15 =	simm.s32 $0x6600  }
0xe5: {  	[spmem:s3] =	stream.indirect.scatter.add.f32 [tilespmem:s23], [sflag:$0x2], $0x10, s15, s21, $0xb8;
	[tilespmem:$0x19000] =	vst v63  }
0xe6: {  	s15 =	simm.s32 $0x6680  }
0xe7: {  	[spmem:s3] =	stream.indirect.scatter.add.f32 [tilespmem:s28], [sflag:$0x2], $0x10, s15, s21, $0xb8;
	[tilespmem:$0x19000] =	vst v63  }
0xe8: {  	s15 =	simm.s32 $0x6700  }
0xe9: {  	[spmem:s3] =	stream.indirect.scatter.add.f32 [tilespmem:s0], [sflag:$0x2], $0x10, s15, s21, $0xb8;
	[tilespmem:$0x19000] =	vst v63  }
0xea: {  	s15 =	simm.s32 $0x6780  }
0xeb: {  	[spmem:s3] =	stream.indirect.scatter.add.f32 [tilespmem:s25], [sflag:$0x2], $0x10, s15, s21, $0xb8;
	[tilespmem:$0x19000] =	vst v63  }
0xec: {  	s15 =	simm.s32 $0x6800  }
0xed: {  	[spmem:s3] =	stream.indirect.scatter.add.f32 [tilespmem:s1], [sflag:$0x2], $0x10, s15, s21, $0xb8;
	[tilespmem:$0x19000] =	vst v63  }
0xee: {  	s15 =	simm.s32 $0x6880  }
0xef: {  	[spmem:s3] =	stream.indirect.scatter.add.f32 [tilespmem:s30], [sflag:$0x2], $0x10, s15, s21, $0xb8;
	[tilespmem:$0x19000] =	vst v63  }
0xf0: {  	s15 =	simm.s32 $0x6900  }
0xf1: {  	[spmem:s3] =	stream.indirect.scatter.add.f32 [tilespmem:s18], [sflag:$0x2], $0x10, s15, s21, $0xb8;
	[tilespmem:$0x19000] =	vst v63  }
0xf2: {  	s15 =	simm.s32 $0x6980  }
0xf3: {  	[spmem:s3] =	stream.indirect.scatter.add.f32 [tilespmem:s14], [sflag:$0x2], $0x10, s15, s21, $0xb8;
	[tilespmem:$0x19000] =	vst v63  }
0xf4: {  	s15 =	simm.s32 $0x6A00  }
0xf5: {  	[spmem:s3] =	stream.indirect.scatter.add.f32 [tilespmem:s5], [sflag:$0x2], $0x10, s15, s21, $0xb8;
	[tilespmem:$0x19000] =	vst v63  }
0xf6: {  	s15 =	simm.s32 $0x6A80  }
0xf7: {  	[spmem:s3] =	stream.indirect.scatter.add.f32 [tilespmem:s6], [sflag:$0x2], $0x10, s15, s21, $0xb8;
	[tilespmem:$0x19000] =	vst v63  }
0xf8: {  	s15 =	simm.s32 $0x6B00  }
0xf9: {  	[spmem:s3] =	stream.indirect.scatter.add.f32 [tilespmem:s7], [sflag:$0x2], $0x10, s15, s21, $0xb8;
	[tilespmem:$0x19000] =	vst v63  }
0xfa: {  	s15 =	simm.s32 $0x6B80  }
0xfb: {  	[spmem:s3] =	stream.indirect.scatter.add.f32 [tilespmem:s8], [sflag:$0x2], $0x10, s15, s21, $0xb8;
	[tilespmem:$0x19000] =	vst v63  }
0xfc: {  	s15 =	simm.s32 $0x6C00  }
0xfd: {  	[spmem:s3] =	stream.indirect.scatter.add.f32 [tilespmem:s9], [sflag:$0x2], $0x10, s15, s21, $0xb8;
	[tilespmem:$0x19000] =	vst v63  }
0xfe: {  	s15 =	simm.s32 $0x6C80  }
0xff: {  	[spmem:s3] =	stream.indirect.scatter.add.f32 [tilespmem:s10], [sflag:$0x2], $0x10, s15, s21, $0xb8;
	[tilespmem:$0x19000] =	vst v63  }
0x100: {  	s15 =	simm.s32 $0x6D00  }
0x101: {  	[spmem:s3] =	stream.indirect.scatter.add.f32 [tilespmem:s4], [sflag:$0x2], $0x10, s15, s21, $0xb8;
	[tilespmem:$0x19000] =	vst v63  }
0x102: {  	s15 =	simm.s32 $0x6D80  }
0x103: {  	[spmem:s3] =	stream.indirect.scatter.add.f32 [tilespmem:s13], [sflag:$0x2], $0x10, s15, s21, $0xb8;
	[tilespmem:$0x19000] =	vst v63  }
0x104: {  	_ =	swait.ge [sflag:s20], $0x800  }
0x105: {  	[sflag:s20] =	ssyncset.done $0x0  }
0x106: {  	[sflag:s20] =	ssyncadd.s32 $0xFFFFF800  }
0x107: {  	_ =	swait.ge [sflag:s20], $0x800  }
0x108: {  	[sflag:s20] =	ssyncset.done $0x0  }
0x109: {  	[sflag:s20] =	ssyncadd.s32 $0xFFFFF800  }
0x10a: {  	_ =	swait.ge [sflag:s20], $0x800  }
0x10b: {  	[sflag:s20] =	ssyncset.done $0x0  }
0x10c: {  	[sflag:s20] =	ssyncadd.s32 $0xFFFFF800  }
0x10d: {  	_ =	swait.ge [sflag:s20], $0x800  }
0x10e: {  	[sflag:s20] =	ssyncset.done $0x0  }
0x10f: {  	[sflag:s20] =	ssyncadd.s32 $0xFFFFF800  }
0x110: {  	_ =	swait.ge [sflag:s20], $0x800  }
0x111: {  	[sflag:s20] =	ssyncset.done $0x0  }
0x112: {  	[sflag:s20] =	ssyncadd.s32 $0xFFFFF800  }
0x113: {  	_ =	swait.ge [sflag:s20], $0x800  }
0x114: {  	[sflag:s20] =	ssyncset.done $0x0  }
0x115: {  	[sflag:s20] =	ssyncadd.s32 $0xFFFFF800  }
0x116: {  	_ =	swait.ge [sflag:s20], $0x800  }
0x117: {  	[sflag:s20] =	ssyncset.done $0x0  }
0x118: {  	[sflag:s20] =	ssyncadd.s32 $0xFFFFF800  }
0x119: {  	_ =	swait.ge [sflag:s20], $0x800  }
0x11a: {  	[sflag:s20] =	ssyncset.done $0x0  }
0x11b: {  	[sflag:s20] =	ssyncadd.s32 $0xFFFFF800  }
0x11c: {  	_ =	swait.ge [sflag:s20], $0x800  }
0x11d: {  	[sflag:s20] =	ssyncset.done $0x0  }
0x11e: {  	[sflag:s20] =	ssyncadd.s32 $0xFFFFF800  }
0x11f: {  	_ =	swait.ge [sflag:s20], $0x800  }
0x120: {  	[sflag:s20] =	ssyncset.done $0x0  }
0x121: {  	[sflag:s20] =	ssyncadd.s32 $0xFFFFF800  }
0x122: {  	_ =	swait.ge [sflag:s20], $0x800  }
0x123: {  	[sflag:s20] =	ssyncset.done $0x0  }
0x124: {  	[sflag:s20] =	ssyncadd.s32 $0xFFFFF800  }
0x125: {  	_ =	swait.ge [sflag:s20], $0x800  }
0x126: {  	[sflag:s20] =	ssyncset.done $0x0  }
0x127: {  	[sflag:s20] =	ssyncadd.s32 $0xFFFFF800  }
0x128: {  	_ =	swait.ge [sflag:s20], $0x800  }
0x129: {  	[sflag:s20] =	ssyncset.done $0x0  }
0x12a: {  	[sflag:s20] =	ssyncadd.s32 $0xFFFFF800  }
0x12b: {  	_ =	swait.ge [sflag:s20], $0x800  }
0x12c: {  	[sflag:s20] =	ssyncset.done $0x0  }
0x12d: {  	[sflag:s20] =	ssyncadd.s32 $0xFFFFF800  }
0x12e: {  	_ =	swait.ge [sflag:s20], $0x800  }
0x12f: {  	[sflag:s20] =	ssyncset.done $0x0  }
0x130: {  	[sflag:s20] =	ssyncadd.s32 $0xFFFFF800  }
0x131: {  	_ =	swait.ge [sflag:s20], $0x800  }
0x132: {  	[sflag:s20] =	ssyncset.done $0x0  }
0x133: {  	[sflag:s20] =	ssyncadd.s32 $0xFFFFF800  }
0x134: {  	_ =	swait.ge [sflag:s20], $0x800  }
0x135: {  	[sflag:s20] =	ssyncset.done $0x0  }
0x136: {  	[sflag:s20] =	ssyncadd.s32 $0xFFFFF800  }
0x137: {  	_ =	swait.ge [sflag:s20], $0x800  }
0x138: {  	[sflag:s20] =	ssyncset.done $0x0  }
0x139: {  	[sflag:s20] =	ssyncadd.s32 $0xFFFFF800  }
0x13a: {  	_ =	swait.ge [sflag:s20], $0x800  }
0x13b: {  	[sflag:s20] =	ssyncset.done $0x0  }
0x13c: {  	[sflag:s20] =	ssyncadd.s32 $0xFFFFF800  }
0x13d: {  	_ =	swait.ge [sflag:s20], $0x800  }
0x13e: {  	[sflag:s20] =	ssyncset.done $0x0  }
0x13f: {  	s15 =	simm.s32 $0x5A00;
	[sflag:s20] =	ssyncadd.s32 $0xFFFFF800  }
0x140: {  	[tilespmem:s11], [sflag:$0x1] =	stream.indirect.gather [spmem:s2], $0x10, s15, s21, $0xb8;
	[tilespmem:$0x19000] =	vst v63  }
0x141: {  	s15 =	simm.s32 $0x5A80  }
0x142: {  	[tilespmem:s29], [sflag:$0x1] =	stream.indirect.gather [spmem:s2], $0x10, s15, s21, $0xb8;
	[tilespmem:$0x19000] =	vst v63  }
0x143: {  	s15 =	simm.s32 $0x5B00  }
0x144: {  	[tilespmem:s31], [sflag:$0x1] =	stream.indirect.gather [spmem:s2], $0x10, s15, s21, $0xb8;
	[tilespmem:$0x19000] =	vst v63  }
0x145: {  	s15 =	simm.s32 $0x5B80  }
0x146: {  	[tilespmem:s17], [sflag:$0x1] =	stream.indirect.gather [spmem:s2], $0x10, s15, s21, $0xb8;
	[tilespmem:$0x19000] =	vst v63  }
0x147: {  	s15 =	simm.s32 $0x5C00  }
0x148: {  	[tilespmem:s23], [sflag:$0x1] =	stream.indirect.gather [spmem:s2], $0x10, s15, s21, $0xb8;
	[tilespmem:$0x19000] =	vst v63  }
0x149: {  	s15 =	simm.s32 $0x5C80  }
0x14a: {  	[tilespmem:s28], [sflag:$0x1] =	stream.indirect.gather [spmem:s2], $0x10, s15, s21, $0xb8;
	[tilespmem:$0x19000] =	vst v63  }
0x14b: {  	s15 =	simm.s32 $0x5D00  }
0x14c: {  	[tilespmem:s0], [sflag:$0x1] =	stream.indirect.gather [spmem:s2], $0x10, s15, s21, $0xb8;
	[tilespmem:$0x19000] =	vst v63  }
0x14d: {  	s15 =	simm.s32 $0x5D80  }
0x14e: {  	[tilespmem:s25], [sflag:$0x1] =	stream.indirect.gather [spmem:s2], $0x10, s15, s21, $0xb8;
	[tilespmem:$0x19000] =	vst v63  }
0x14f: {  	s15 =	simm.s32 $0x5E00  }
0x150: {  	[tilespmem:s1], [sflag:$0x1] =	stream.indirect.gather [spmem:s2], $0x10, s15, s21, $0xb8;
	[tilespmem:$0x19000] =	vst v63  }
0x151: {  	s15 =	simm.s32 $0x5E80  }
0x152: {  	[tilespmem:s30], [sflag:$0x1] =	stream.indirect.gather [spmem:s2], $0x10, s15, s21, $0xb8;
	[tilespmem:$0x19000] =	vst v63  }
0x153: {  	s15 =	simm.s32 $0x5F00  }
0x154: {  	[tilespmem:s18], [sflag:$0x1] =	stream.indirect.gather [spmem:s2], $0x10, s15, s21, $0xb8;
	[tilespmem:$0x19000] =	vst v63  }
0x155: {  	s15 =	simm.s32 $0x5F80  }
0x156: {  	[tilespmem:s14], [sflag:$0x1] =	stream.indirect.gather [spmem:s2], $0x10, s15, s21, $0xb8;
	[tilespmem:$0x19000] =	vst v63  }
0x157: {  	s15 =	simm.s32 $0x6000  }
0x158: {  	[tilespmem:s5], [sflag:$0x1] =	stream.indirect.gather [spmem:s2], $0x10, s15, s21, $0xb8;
	[tilespmem:$0x19000] =	vst v63  }
0x159: {  	s15 =	simm.s32 $0x6080  }
0x15a: {  	[tilespmem:s6], [sflag:$0x1] =	stream.indirect.gather [spmem:s2], $0x10, s15, s21, $0xb8;
	[tilespmem:$0x19000] =	vst v63  }
0x15b: {  	s15 =	simm.s32 $0x6100  }
0x15c: {  	[tilespmem:s7], [sflag:$0x1] =	stream.indirect.gather [spmem:s2], $0x10, s15, s21, $0xb8;
	[tilespmem:$0x19000] =	vst v63  }
0x15d: {  	s15 =	simm.s32 $0x6180  }
0x15e: {  	[tilespmem:s8], [sflag:$0x1] =	stream.indirect.gather [spmem:s2], $0x10, s15, s21, $0xb8;
	[tilespmem:$0x19000] =	vst v63  }
0x15f: {  	s15 =	simm.s32 $0x6200  }
0x160: {  	[tilespmem:s9], [sflag:$0x1] =	stream.indirect.gather [spmem:s2], $0x10, s15, s21, $0xb8;
	[tilespmem:$0x19000] =	vst v63  }
0x161: {  	s15 =	simm.s32 $0x6280  }
0x162: {  	[tilespmem:s10], [sflag:$0x1] =	stream.indirect.gather [spmem:s2], $0x10, s15, s21, $0xb8;
	[tilespmem:$0x19000] =	vst v63  }
0x163: {  	s15 =	simm.s32 $0x6300  }
0x164: {  	[tilespmem:s4], [sflag:$0x1] =	stream.indirect.gather [spmem:s2], $0x10, s15, s21, $0xb8;
	[tilespmem:$0x19000] =	vst v63  }
0x165: {  	s15 =	simm.s32 $0x6380  }
0x166: {  	[tilespmem:s13], [sflag:$0x1] =	stream.indirect.gather [spmem:s2], $0x10, s15, s21, $0xb8;
	[tilespmem:$0x19000] =	vst v63  }
0x167: {  	_ =	swait.ge [sflag:s19], $0x800  }
0x168: {  	[sflag:s19] =	ssyncset.done $0x0  }
0x169: {  	[sflag:s19] =	ssyncadd.s32 $0xFFFFF800  }
0x16a: {  	_ =	swait.ge [sflag:s19], $0x800  }
0x16b: {  	[sflag:s19] =	ssyncset.done $0x0  }
0x16c: {  	[sflag:s19] =	ssyncadd.s32 $0xFFFFF800  }
0x16d: {  	_ =	swait.ge [sflag:s19], $0x800  }
0x16e: {  	[sflag:s19] =	ssyncset.done $0x0  }
0x16f: {  	[sflag:s19] =	ssyncadd.s32 $0xFFFFF800  }
0x170: {  	_ =	swait.ge [sflag:s19], $0x800  }
0x171: {  	[sflag:s19] =	ssyncset.done $0x0  }
0x172: {  	[sflag:s19] =	ssyncadd.s32 $0xFFFFF800  }
0x173: {  	_ =	swait.ge [sflag:s19], $0x800  }
0x174: {  	[sflag:s19] =	ssyncset.done $0x0  }
0x175: {  	[sflag:s19] =	ssyncadd.s32 $0xFFFFF800  }
0x176: {  	_ =	swait.ge [sflag:s19], $0x800  }
0x177: {  	[sflag:s19] =	ssyncset.done $0x0  }
0x178: {  	[sflag:s19] =	ssyncadd.s32 $0xFFFFF800  }
0x179: {  	_ =	swait.ge [sflag:s19], $0x800  }
0x17a: {  	[sflag:s19] =	ssyncset.done $0x0  }
0x17b: {  	[sflag:s19] =	ssyncadd.s32 $0xFFFFF800  }
0x17c: {  	_ =	swait.ge [sflag:s19], $0x800  }
0x17d: {  	[sflag:s19] =	ssyncset.done $0x0  }
0x17e: {  	[sflag:s19] =	ssyncadd.s32 $0xFFFFF800  }
0x17f: {  	_ =	swait.ge [sflag:s19], $0x800  }
0x180: {  	[sflag:s19] =	ssyncset.done $0x0  }
0x181: {  	[sflag:s19] =	ssyncadd.s32 $0xFFFFF800  }
0x182: {  	_ =	swait.ge [sflag:s19], $0x800  }
0x183: {  	[sflag:s19] =	ssyncset.done $0x0  }
0x184: {  	[sflag:s19] =	ssyncadd.s32 $0xFFFFF800  }
0x185: {  	_ =	swait.ge [sflag:s19], $0x800  }
0x186: {  	[sflag:s19] =	ssyncset.done $0x0  }
0x187: {  	[sflag:s19] =	ssyncadd.s32 $0xFFFFF800  }
0x188: {  	_ =	swait.ge [sflag:s19], $0x800  }
0x189: {  	[sflag:s19] =	ssyncset.done $0x0  }
0x18a: {  	[sflag:s19] =	ssyncadd.s32 $0xFFFFF800  }
0x18b: {  	_ =	swait.ge [sflag:s19], $0x800  }
0x18c: {  	[sflag:s19] =	ssyncset.done $0x0  }
0x18d: {  	[sflag:s19] =	ssyncadd.s32 $0xFFFFF800  }
0x18e: {  	_ =	swait.ge [sflag:s19], $0x800  }
0x18f: {  	[sflag:s19] =	ssyncset.done $0x0  }
0x190: {  	[sflag:s19] =	ssyncadd.s32 $0xFFFFF800  }
0x191: {  	_ =	swait.ge [sflag:s19], $0x800  }
0x192: {  	[sflag:s19] =	ssyncset.done $0x0  }
0x193: {  	[sflag:s19] =	ssyncadd.s32 $0xFFFFF800  }
0x194: {  	_ =	swait.ge [sflag:s19], $0x800  }
0x195: {  	[sflag:s19] =	ssyncset.done $0x0  }
0x196: {  	[sflag:s19] =	ssyncadd.s32 $0xFFFFF800  }
0x197: {  	_ =	swait.ge [sflag:s19], $0x800  }
0x198: {  	[sflag:s19] =	ssyncset.done $0x0  }
0x199: {  	[sflag:s19] =	ssyncadd.s32 $0xFFFFF800  }
0x19a: {  	_ =	swait.ge [sflag:s19], $0x800  }
0x19b: {  	[sflag:s19] =	ssyncset.done $0x0  }
0x19c: {  	[sflag:s19] =	ssyncadd.s32 $0xFFFFF800  }
0x19d: {  	_ =	swait.ge [sflag:s19], $0x800  }
0x19e: {  	[sflag:s19] =	ssyncset.done $0x0  }
0x19f: {  	[sflag:s19] =	ssyncadd.s32 $0xFFFFF800  }
0x1a0: {  	_ =	swait.ge [sflag:s19], $0x800  }
0x1a1: {  	[sflag:s19] =	ssyncset.done $0x0  }
0x1a2: {  	s15 =	simm.s32 $0x6E00;
	[sflag:s19] =	ssyncadd.s32 $0xFFFFF800  }
0x1a3: {  	[spmem:s3] =	stream.indirect.scatter.add.f32 [tilespmem:s11], [sflag:$0x2], $0x10, s15, s21, $0xb8;
	[tilespmem:$0x19000] =	vst v63  }
0x1a4: {  	s15 =	simm.s32 $0x6E80  }
0x1a5: {  	[spmem:s3] =	stream.indirect.scatter.add.f32 [tilespmem:s29], [sflag:$0x2], $0x10, s15, s21, $0xb8;
	[tilespmem:$0x19000] =	vst v63  }
0x1a6: {  	s29 =	simm.s32 $0x6F00  }
0x1a7: {  	[spmem:s3] =	stream.indirect.scatter.add.f32 [tilespmem:s31], [sflag:$0x2], $0x10, s29, s21, $0xb8;
	[tilespmem:$0x19000] =	vst v63  }
0x1a8: {  	s15 =	simm.s32 $0x6F80  }
0x1a9: {  	[spmem:s3] =	stream.indirect.scatter.add.f32 [tilespmem:s17], [sflag:$0x2], $0x10, s15, s21, $0xb8;
	[tilespmem:$0x19000] =	vst v63  }
0x1aa: {  	s29 =	simm.s32 $0x7000  }
0x1ab: {  	[spmem:s3] =	stream.indirect.scatter.add.f32 [tilespmem:s23], [sflag:$0x2], $0x10, s29, s21, $0xb8;
	[tilespmem:$0x19000] =	vst v63  }
0x1ac: {  	s15 =	simm.s32 $0x7080  }
0x1ad: {  	[spmem:s3] =	stream.indirect.scatter.add.f32 [tilespmem:s28], [sflag:$0x2], $0x10, s15, s21, $0xb8;
	[tilespmem:$0x19000] =	vst v63  }
0x1ae: {  	s29 =	simm.s32 $0x7100  }
0x1af: {  	[spmem:s3] =	stream.indirect.scatter.add.f32 [tilespmem:s0], [sflag:$0x2], $0x10, s29, s21, $0xb8;
	[tilespmem:$0x19000] =	vst v63  }
0x1b0: {  	s11 =	simm.s32 $0x7180  }
0x1b1: {  	[spmem:s3] =	stream.indirect.scatter.add.f32 [tilespmem:s25], [sflag:$0x2], $0x10, s11, s21, $0xb8;
	[tilespmem:$0x19000] =	vst v63  }
0x1b2: {  	s15 =	simm.s32 $0x7200  }
0x1b3: {  	[spmem:s3] =	stream.indirect.scatter.add.f32 [tilespmem:s1], [sflag:$0x2], $0x10, s15, s21, $0xb8;
	[tilespmem:$0x19000] =	vst v63  }
0x1b4: {  	s29 =	simm.s32 $0x7280  }
0x1b5: {  	[spmem:s3] =	stream.indirect.scatter.add.f32 [tilespmem:s30], [sflag:$0x2], $0x10, s29, s21, $0xb8;
	[tilespmem:$0x19000] =	vst v63  }
0x1b6: {  	s11 =	simm.s32 $0x7300  }
0x1b7: {  	[spmem:s3] =	stream.indirect.scatter.add.f32 [tilespmem:s18], [sflag:$0x2], $0x10, s11, s21, $0xb8;
	[tilespmem:$0x19000] =	vst v63  }
0x1b8: {  	s15 =	simm.s32 $0x7380  }
0x1b9: {  	[spmem:s3] =	stream.indirect.scatter.add.f32 [tilespmem:s14], [sflag:$0x2], $0x10, s15, s21, $0xb8;
	[tilespmem:$0x19000] =	vst v63  }
0x1ba: {  	s29 =	simm.s32 $0x7400  }
0x1bb: {  	[spmem:s3] =	stream.indirect.scatter.add.f32 [tilespmem:s5], [sflag:$0x2], $0x10, s29, s21, $0xb8;
	[tilespmem:$0x19000] =	vst v63  }
0x1bc: {  	s11 =	simm.s32 $0x7480  }
0x1bd: {  	[spmem:s3] =	stream.indirect.scatter.add.f32 [tilespmem:s6], [sflag:$0x2], $0x10, s11, s21, $0xb8;
	[tilespmem:$0x19000] =	vst v63  }
0x1be: {  	s15 =	simm.s32 $0x7500  }
0x1bf: {  	[spmem:s3] =	stream.indirect.scatter.add.f32 [tilespmem:s7], [sflag:$0x2], $0x10, s15, s21, $0xb8;
	[tilespmem:$0x19000] =	vst v63  }
0x1c0: {  	s29 =	simm.s32 $0x7580  }
0x1c1: {  	[spmem:s3] =	stream.indirect.scatter.add.f32 [tilespmem:s8], [sflag:$0x2], $0x10, s29, s21, $0xb8;
	[tilespmem:$0x19000] =	vst v63  }
0x1c2: {  	s11 =	simm.s32 $0x7600  }
0x1c3: {  	[spmem:s3] =	stream.indirect.scatter.add.f32 [tilespmem:s9], [sflag:$0x2], $0x10, s11, s21, $0xb8;
	[tilespmem:$0x19000] =	vst v63  }
0x1c4: {  	s15 =	simm.s32 $0x7680  }
0x1c5: {  	[spmem:s3] =	stream.indirect.scatter.add.f32 [tilespmem:s10], [sflag:$0x2], $0x10, s15, s21, $0xb8;
	[tilespmem:$0x19000] =	vst v63  }
0x1c6: {  	s29 =	simm.s32 $0x7700  }
0x1c7: {  	[spmem:s3] =	stream.indirect.scatter.add.f32 [tilespmem:s4], [sflag:$0x2], $0x10, s29, s21, $0xb8;
	[tilespmem:$0x19000] =	vst v63  }
0x1c8: {  	s11 =	simm.s32 $0x7780  }
0x1c9: {  	[spmem:s3] =	stream.indirect.scatter.add.f32 [tilespmem:s13], [sflag:$0x2], $0x10, s11, s21, $0xb8;
	[tilespmem:$0x19000] =	vst v63  }
0x1ca: {  	_ =	swait.ge [sflag:s20], $0x800  }
0x1cb: {  	[sflag:s20] =	ssyncset.done $0x0  }
0x1cc: {  	[sflag:s20] =	ssyncadd.s32 $0xFFFFF800  }
0x1cd: {  	_ =	swait.ge [sflag:s20], $0x800  }
0x1ce: {  	[sflag:s20] =	ssyncset.done $0x0  }
0x1cf: {  	[sflag:s20] =	ssyncadd.s32 $0xFFFFF800  }
0x1d0: {  	_ =	swait.ge [sflag:s20], $0x800  }
0x1d1: {  	[sflag:s20] =	ssyncset.done $0x0  }
0x1d2: {  	[sflag:s20] =	ssyncadd.s32 $0xFFFFF800  }
0x1d3: {  	_ =	swait.ge [sflag:s20], $0x800  }
0x1d4: {  	[sflag:s20] =	ssyncset.done $0x0  }
0x1d5: {  	[sflag:s20] =	ssyncadd.s32 $0xFFFFF800  }
0x1d6: {  	_ =	swait.ge [sflag:s20], $0x800  }
0x1d7: {  	[sflag:s20] =	ssyncset.done $0x0  }
0x1d8: {  	[sflag:s20] =	ssyncadd.s32 $0xFFFFF800  }
0x1d9: {  	_ =	swait.ge [sflag:s20], $0x800  }
0x1da: {  	[sflag:s20] =	ssyncset.done $0x0  }
0x1db: {  	[sflag:s20] =	ssyncadd.s32 $0xFFFFF800  }
0x1dc: {  	_ =	swait.ge [sflag:s20], $0x800  }
0x1dd: {  	[sflag:s20] =	ssyncset.done $0x0  }
0x1de: {  	[sflag:s20] =	ssyncadd.s32 $0xFFFFF800  }
0x1df: {  	_ =	swait.ge [sflag:s20], $0x800  }
0x1e0: {  	[sflag:s20] =	ssyncset.done $0x0  }
0x1e1: {  	[sflag:s20] =	ssyncadd.s32 $0xFFFFF800  }
0x1e2: {  	_ =	swait.ge [sflag:s20], $0x800  }
0x1e3: {  	[sflag:s20] =	ssyncset.done $0x0  }
0x1e4: {  	[sflag:s20] =	ssyncadd.s32 $0xFFFFF800  }
0x1e5: {  	_ =	swait.ge [sflag:s20], $0x800  }
0x1e6: {  	[sflag:s20] =	ssyncset.done $0x0  }
0x1e7: {  	[sflag:s20] =	ssyncadd.s32 $0xFFFFF800  }
0x1e8: {  	_ =	swait.ge [sflag:s20], $0x800  }
0x1e9: {  	[sflag:s20] =	ssyncset.done $0x0  }
0x1ea: {  	[sflag:s20] =	ssyncadd.s32 $0xFFFFF800  }
0x1eb: {  	_ =	swait.ge [sflag:s20], $0x800  }
0x1ec: {  	[sflag:s20] =	ssyncset.done $0x0  }
0x1ed: {  	[sflag:s20] =	ssyncadd.s32 $0xFFFFF800  }
0x1ee: {  	_ =	swait.ge [sflag:s20], $0x800  }
0x1ef: {  	[sflag:s20] =	ssyncset.done $0x0  }
0x1f0: {  	[sflag:s20] =	ssyncadd.s32 $0xFFFFF800  }
0x1f1: {  	_ =	swait.ge [sflag:s20], $0x800  }
0x1f2: {  	[sflag:s20] =	ssyncset.done $0x0  }
0x1f3: {  	[sflag:s20] =	ssyncadd.s32 $0xFFFFF800  }
0x1f4: {  	_ =	swait.ge [sflag:s20], $0x800  }
0x1f5: {  	[sflag:s20] =	ssyncset.done $0x0  }
0x1f6: {  	[sflag:s20] =	ssyncadd.s32 $0xFFFFF800  }
0x1f7: {  	_ =	swait.ge [sflag:s20], $0x800  }
0x1f8: {  	[sflag:s20] =	ssyncset.done $0x0  }
0x1f9: {  	[sflag:s20] =	ssyncadd.s32 $0xFFFFF800  }
0x1fa: {  	_ =	swait.ge [sflag:s20], $0x800  }
0x1fb: {  	[sflag:s20] =	ssyncset.done $0x0  }
0x1fc: {  	[sflag:s20] =	ssyncadd.s32 $0xFFFFF800  }
0x1fd: {  	_ =	swait.ge [sflag:s20], $0x800  }
0x1fe: {  	[sflag:s20] =	ssyncset.done $0x0  }
0x1ff: {  	[sflag:s20] =	ssyncadd.s32 $0xFFFFF800  }
0x200: {  	_ =	swait.ge [sflag:s20], $0x800  }
0x201: {  	[sflag:s20] =	ssyncset.done $0x0  }
0x202: {  	[sflag:s20] =	ssyncadd.s32 $0xFFFFF800  }
0x203: {  	_ =	swait.ge [sflag:s20], $0x800  }
0x204: {  	[sflag:s20] =	ssyncset.done $0x0  }
0x205: {  	[sflag:s20] =	ssyncadd.s32 $0xFFFFF800  }
0x206: {  	s13 =	stileid.u32;
	[bflag:$0x0] =	sbarrier.arrive $0xFFFF  }
0x207: {  	s11 =	sshll.u32 s13, $0x6;
	s15 =	rddreg [dreg:$0xa]  }
0x208: {  	s11 =	sor.u32 $0x1C03, s11;
	s0 =	rddreg [dreg:$0xb];
	s29 =	sshrl.u32 s15, $0x3  }
0x209: {  	[hbm:s0], [sflag:s11] =	dma.local [spmem:s29], $0x500  }
0x20a: {  	_ =	swait.ge [sflag:s16], $0x500  }
0x20b: {  	s12 =	sadd.s32 $0x1, s12;
	s29 =	rddreg [dreg:$0xc]  }
0x20c: {  	p0 =	sne.s32 s12, s29  }
.Ltmp1:
0x20d: {  	_ = 	snop;
	(pc) =	sbr.rel @p0 .LBB2_1-.Ltmp1, $3  }
0x20e: {  	_ =	sdelay $0x1  }
0x20f: {  	[sflag:s16] =	ssyncset.done $0x0  }
0x210: {  	[sflag:s16] =	ssyncadd.s32 $0xFFFFFB00  }
0x211: {  	_ =	sfence.sel $0x180000  }
0x212: {  	[bflag:$0x0] =	sbarrier.arrive $0xFFFF  }
0x213: {  	_ =	strace $0x9000004A  }
0x214: {  	s0 =	stileid.u32;
	[bflag:$0x2] =	sbarrier.arrive $0xFFFF  }
0x215: {  	p0 =	sne.s32 s0, $0x0;
	s0 =	rddreg [dreg:$0x3]  }
0x216: {  	s0 =	sadd.s32 @!p0 $0x100000, s0  }
0x217: {  	[sflag:s0] =	ssyncadd.tile.s32 @!p0 $0x1;
	_ =	shalt  }
.Lfunc_end2:
_tile_overlayer_lowered:
.L_overlay_start_2:
0x218: {  	(tag) =	ssettag $0x2  }
0x219: {  	s0 =	rddreg [dreg:$0x0];
	s2 =	stileid.u32  }
0x21a: {  	s1 =	rddreg [dreg:$0x1];
	p0 =	sne.s32 s2, $0x0  }
0x21b: {  	s3 =	rddreg [dreg:$0x2];
	[bflag:$0x3] =	sbarrier.arrive $0xFFFF;
	s2 =	simm.s32 @!p0 $0x1C03  }
0x21c: {  	[timem:s3], [sflag:s2] =	dma.local @!p0 [hbm:s0], s1  }
0x21d: {  	s0 =	simm.s32 @!p0 $0x3  }
0x21e: {  	_ =	swait.ge @!p0 [sflag:s0], s1  }
0x21f: {  	s1 =	ssub.s32 @!p0 $0x0, s1;
	[sflag:s0] =	ssyncset.done @!p0 $0x0  }
0x220: {  	[sflag:s0] =	ssyncadd.s32 @!p0 s1  }
0x221: {  	[bflag:$0x3] =	sbarrier.arrive $0xFFFF  }
0x222: {  	_ =	shalt  }

// kernel: kernel.15.cloned.1.call-start
scs
__scs_entry_jumppad:
0x0: {  	(pc) =	sbr.rel $0x88, $3  }
0x1: {  	(tag) =	ssettag $0x0;
	lr =	simm.s32 $0x1  }
0x2: {  	[smem:$0x3F9B] =	sst lr;
	_ =	strace $0xD0000000  }
0x3: {  	_ = 	snop  }
0x4: {  	_ = 	snop  }
0x5: {  	_ = 	snop  }
0x6: {  	_ = 	snop  }
0x7: {  	_ = 	snop  }
__scs_overlays_trampoline_lowered:
0x8: {  	[smem:$0x3FAA] =	sst s0  }
0x9: {  	[smem:$0x3FAB] =	sst s1  }
0xa: {  	[smem:$0x3FAC] =	sst s2  }
0xb: {  	[smem:$0x3FAD] =	sst s3  }
0xc: {  	[smem:$0x3FAE] =	sst s4  }
0xd: {  	[smem:$0x3FAF] =	sst s5  }
0xe: {  	[smem:$0x3FB0] =	sst s6  }
0xf: {  	[smem:$0x3FB1] =	sst s7  }
0x10: {  	[smem:$0x3FB2] =	sst s8  }
0x11: {  	[smem:$0x3FB3] =	sst s9;
	s0 =	simm.s32 @!p0 $0x0  }
0x12: {  	s1 =	sld [smem:$0x3F99];
	s0 =	simm.s32 @p0 $0x1  }
0x13: {  	[smem:$0x3FB4] =	sst s0;
	s0 =	simm.s32 @!p1 $0x0  }
0x14: {  	s2 =	sld [smem:$0x3F98];
	s0 =	simm.s32 @p1 $0x1  }
0x15: {  	[smem:$0x3FB5] =	sst s0;
	s0 =	simm.s32 @!p2 $0x0  }
0x16: {  	s3 =	sld [smem:$0x3FDB];
	s0 =	simm.s32 @p2 $0x1  }
0x17: {  	s4 =	simm.s32 $0x1BF5;
	[smem:$0x3FB7] =	sst s0  }
0x18: {  	s0 =	sld [smem:$0x3F9A];
	_ =	swait.ge [sflag:s4], $0x0  }
0x19: {  	s7 =	sld [smem:$0x3F9B]  }
0x1a: {  	s8 =	sadd.s32 $0xFFFFE003, lr  }
0x1b: {  	s9 =	sadd.s32 $0xFFFFFEF7, lr;
	s5 =	simm.s32 $0xFFFFFFFF;
	p2 =	slt.u32 s8, $0xFFFFF086  }
0x1c: {  	p1 =	slt.u32 s9, $0xF7A;
	s5 =	simm.s32 @!p2 $0x0  }
0x1d: {  	s5 =	simm.s32 @p1 $0x1;
	p0 =	seq.s32 s7, s2  }
0x1e: {  	s7 =	smul.u32 @!p0 $0xF7A, s2;
	p2 =	seq.s32 @!p0 s5, $0x0  }
0x1f: {  	s9 =	smul.u32 $0xF7A, s1;
	s8 =	simm.s32 @!p0 $0x1BF5;
	p2 =	por !p2, p0  }
0x20: {  	[sflag:s8] =	ssyncset.s32 @!p0 $0xFFFFF086;
	s6 =	sadd.s32 @!p0 s3, s7;
	s7 =	simm.s32 @!p0 $0x108  }
0x21: {  	s3 =	sadd.s32 s3, s9;
	s6 =	sadd.s32 @!p0 $0x88, s6;
	s7 =	simm.s32 @p2 $0x1082  }
0x22: {  	[simem:s7], [sflag:s8] =	dma.local @!p0 [hbm:s6], $0xF7A  }
0x23: {  	s9 =	sor.u32 $0xD0000000, s2;
	s6 =	simm.s32 $0x108;
	_ =	swait.ge @!p0 [sflag:s8], $0x0  }
0x24: {  	s3 =	sadd.s32 $0x88, s3;
	s6 =	simm.s32 @!p1 $0x1082;
	[sflag:s4] =	ssyncset.s32 $0xFFFFF086  }
0x25: {  	[simem:s6], [sflag:s4] =	dma.local [hbm:s3], $0xF7A  }
0x26: {  	[smem:$0x3F9B] =	sst s1;
	(tag) =	ssettag s2;
	_ =	strace s9  }
0x27: {  	s1 =	sld [smem:$0x3FAB]  }
0x28: {  	s2 =	sld [smem:$0x3FAC]  }
0x29: {  	s4 =	sld [smem:$0x3FAE]  }
0x2a: {  	p0 =	seq.s32 s5, $0x0;
	s5 =	sld [smem:$0x3FAF]  }
0x2b: {  	s6 =	sld [smem:$0x3FB0]  }
0x2c: {  	s7 =	sld [smem:$0x3FB1]  }
0x2d: {  	s3 =	simm.s32 $0x108;
	s8 =	sld [smem:$0x3FB2]  }
0x2e: {  	s3 =	simm.s32 @!p0 $0x1082;
	s9 =	sld [smem:$0x3FB3]  }
0x2f: {  	lr =	sadd.s32 s0, s3;
	s0 =	sld [smem:$0x3FAA]  }
0x30: {  	s3 =	sld [smem:$0x3FAD]  }
0x31: {  	[smem:$0x3FB6] =	sst s10  }
0x32: {  	s10 =	sld [smem:$0x3FB4];
	_ =	sdelay $0x3  }
0x33: {  	p0 =	seq.s32 s10, $0x1;
	s10 =	sld [smem:$0x3FB6];
	_ =	sdelay $0x3  }
0x34: {  	[smem:$0x3FB6] =	sst s10  }
0x35: {  	s10 =	sld [smem:$0x3FB5];
	_ =	sdelay $0x3  }
0x36: {  	p1 =	seq.s32 s10, $0x1;
	s10 =	sld [smem:$0x3FB6];
	_ =	sdelay $0x3  }
0x37: {  	[smem:$0x3FB6] =	sst s10  }
0x38: {  	s10 =	sld [smem:$0x3FB7]  }
0x39: {  	_ = 	snop;
	(pc) =	sbr.ind lr, $3  }
0x3a: {  	_ = 	snop  }
0x3b: {  	_ = 	snop  }
0x3c: {  	p2 =	seq.s32 s10, $0x1;
	s10 =	sld [smem:$0x3FB6]  }
0x3d: {  	_ =	shalt  }
0x3e: {  	_ =	shalt  }
0x3f: {  	_ =	shalt  }
0x40: {  	_ =	shalt  }
0x41: {  	_ =	shalt  }
0x42: {  	_ =	shalt  }
0x43: {  	_ =	shalt  }
0x44: {  	_ =	shalt  }
0x45: {  	_ =	shalt  }
0x46: {  	_ =	shalt  }
0x47: {  	_ =	shalt  }
0x48: {  	_ =	shalt  }
0x49: {  	_ =	shalt  }
0x4a: {  	_ =	shalt  }
0x4b: {  	_ =	shalt  }
0x4c: {  	_ =	shalt  }
0x4d: {  	_ =	shalt  }
0x4e: {  	_ =	shalt  }
0x4f: {  	_ =	shalt  }
0x50: {  	_ =	shalt  }
0x51: {  	_ =	shalt  }
0x52: {  	_ =	shalt  }
0x53: {  	_ =	shalt  }
0x54: {  	_ =	shalt  }
0x55: {  	_ =	shalt  }
0x56: {  	_ =	shalt  }
0x57: {  	_ =	shalt  }
0x58: {  	_ =	shalt  }
0x59: {  	_ =	shalt  }
0x5a: {  	_ =	shalt  }
0x5b: {  	_ =	shalt  }
0x5c: {  	_ =	shalt  }
0x5d: {  	_ =	shalt  }
0x5e: {  	_ =	shalt  }
0x5f: {  	_ =	shalt  }
0x60: {  	_ =	shalt  }
0x61: {  	_ =	shalt  }
0x62: {  	_ =	shalt  }
0x63: {  	_ =	shalt  }
0x64: {  	_ =	shalt  }
0x65: {  	_ =	shalt  }
0x66: {  	_ =	shalt  }
0x67: {  	_ =	shalt  }
0x68: {  	_ =	shalt  }
0x69: {  	_ =	shalt  }
0x6a: {  	_ =	shalt  }
0x6b: {  	_ =	shalt  }
0x6c: {  	_ =	shalt  }
0x6d: {  	_ =	shalt  }
0x6e: {  	_ =	shalt  }
0x6f: {  	_ =	shalt  }
0x70: {  	_ =	shalt  }
0x71: {  	_ =	shalt  }
0x72: {  	_ =	shalt  }
0x73: {  	_ =	shalt  }
0x74: {  	_ =	shalt  }
0x75: {  	_ =	shalt  }
0x76: {  	_ =	shalt  }
0x77: {  	_ =	shalt  }
0x78: {  	_ =	shalt  }
0x79: {  	_ =	shalt  }
0x7a: {  	_ =	shalt  }
0x7b: {  	_ =	shalt  }
0x7c: {  	_ =	shalt  }
0x7d: {  	_ =	shalt  }
0x7e: {  	_ =	shalt  }
0x7f: {  	_ =	shalt  }
0x80: {  	_ =	shalt  }
0x81: {  	_ =	shalt  }
0x82: {  	_ =	shalt  }
0x83: {  	_ =	shalt  }
0x84: {  	_ =	shalt  }
0x85: {  	_ =	shalt  }
0x86: {  	_ =	shalt  }
0x87: {  	_ =	shalt  }
.Lfunc_end0:
.L_simem_size_0:
called_computation.2_lowered:
.L_overlay_start_0:
0x88: {  	s2 =	sld [smem:$0x3FD9]  }
0x89: {  	s3 =	sld [smem:$0x3FFE];
	_ =	sdelay $0x1  }
0x8a: {  	s1 =	srdreg.scid  }
0x8b: {  	s0 =	sand.u32 $0x1, s1  }
0x8c: {  	s16 =	sshll.u32 s0, $0xA;
	s2 =	sadd.s32 s3, s2  }
0x8d: {  	s2 =	sadd.s32 s2, s16  }
0x8e: {  	[smem:$0x3FC2] =	sst s2  }
0x8f: {  	_ = 	snop  }
0x90: {  	(tm) =	ssettm $0x1  }
0x91: {  	s17 =	sld [smem:$0x3FFB];
	_ =	sdelay $0x3  }
0x92: {  	_ =	strace s17  }
0x93: {  	s2 =	sld [smem:$0x3FFC];
	_ =	sdelay $0x3  }
0x94: {  	_ =	strace s2  }
0x95: {  	s2 =	sld [smem:$0x3FFD];
	_ =	sdelay $0x3  }
0x96: {  	_ =	strace s2  }
0x97: {  	_ =	strace $0x8FFFFFFF  }
0x98: {  	s18 =	sld [smem:$0x3FDB];
	_ =	sdelay $0x1  }
0x99: {  	s19 =	simm.s32 $_scs_section_size  }
0x9a: {  	s4 =	simm.s32 $_size__tile_overlayer_lowered;
	s5 =	simm.s32 $_tile_overlayer_lowered  }
0x9b: {  	s22 =	simm.s32 $0x1BFF;
	s21 =	sshll.u32 s5, $0x1;
	s2 =	sadd.s32 s19, s18  }
0x9c: {  	s6 =	simm.s32 $0x0;
	s20 =	sshll.u32 s4, $0x1;
	s4 =	sadd.s32 s21, s2  }
0x9d: {  	[timem:s6], [sflag:s22] =	dma.local [hbm:s4], s20  }
0x9e: {  	_ =	swait.ge [sflag:s22], s20  }
0x9f: {  	s3 =	ssub.s32 $0x0, s20;
	[sflag:s22] =	ssyncset.done $0x0  }
0xa0: {  	[sflag:s22] =	ssyncadd.s32 s3;
	_ =	sdelay $0x1  }
0xa1: {  	s23 =	simm.s32 $0x1B8B  }
0xa2: {  	_ =	swait.ge [sflag:s23], $0x1  }
0xa3: {  	[sflag:s23] =	ssyncset.done $0x0  }
0xa4: {  	s25 =	simm.s32 $0x1B8E;
	s24 =	sld [smem:$0x3FFE];
	[sflag:s23] =	ssyncadd.s32 $0xFFFFFFFF  }
0xa5: {  	s26 =	simm.s32 $execute0_lowered;
	[smem:$0x3FD2] =	sst s25  }
0xa6: {  	s4 =	sshll.u32 s26, $0x1;
	_ =	strace $0x8000004C;
	[dreg:$0x1] =	wrdreg $0xFFFFFFFF  }
0xa7: {  	s28 =	simm.s32 $_size_execute0_lowered;
	s2 =	sadd.s32 s2, s4;
	[dreg:$0x0] =	wrdreg $0x0  }
0xa8: {  	s4 =	sshll.u32 s28, $0x1;
	[dreg:$0x2] =	wrdreg s2  }
0xa9: {  	[dreg:$0x3] =	wrdreg s4  }
0xaa: {  	[dreg:$0x4] =	wrdreg $0xC0  }
0xab: {  	_ =	task [dreg:s6], $0x5FFFF  }
0xac: {  	[dreg:$0x1] =	wrdreg $0xFFFFFFFF  }
0xad: {  	[dreg:$0x0] =	wrdreg $0x60  }
0xae: {  	[dreg:$0x2] =	wrdreg s24  }
0xaf: {  	[dreg:$0x3] =	wrdreg $0x0  }
0xb0: {  	[dreg:$0x4] =	wrdreg $0x9  }
0xb1: {  	_ =	task.clear_ibuf [dreg:s6], $0x5FFFF;
	_ =	strace $0x9000004C  }
0xb2: {  	s29 =	simm.s32 $0x9;
	_ =	strace $0x8000004E  }
0xb3: {  	_ =	swait.ge [sflag:s29], $0x1  }
0xb4: {  	[sflag:s29] =	ssyncadd.s32 $0xFFFFFFFF  }
0xb5: {  	_ =	strace $0x9000004E  }
0xb6: {  	_ =	sfence  }
0xb7: {  	s30 =	sld [smem:$0x0];
	_ =	sdelay $0x2  }
0xb8: {  	s31 =	sshll.u32 s1, $0xD;
	s1 =	sshrl.u32 s1, $0x2  }
0xb9: {  	s3 =	sand.u32 $0x4000, s31;
	s1 =	sadd.s32 s1, s30  }
0xba: {  	s0 =	sor.u32 s3, s0;
	s1 =	sshll.u32 s1, $0x11  }
0xbb: {  	s0 =	sor.u32 s1, s0  }
0xbc: {  	s0 =	sadd.s32 $0x8F2B, s0  }
0xbd: {  	[sflag:s0] =	ssyncadd.remote.s32 $0x1  }
0xbe: {  	_ =	sfence.sel $0xFFFF  }
0xbf: {  	[dreg:$0x0] =	wrdreg $0xFFFFFFFF;
	(pc) =	sbr.abs _section_cstart, $3  }
0xc0: {  	[dreg:$0x1] =	wrdreg $0xFFFFFFFF  }
0xc1: {  	_ =	task.clear_ibuf [dreg:s6], $0x2FFFF;
	_ =	strace $0x9FFFFFFF  }
0xc2: {  	(tm) =	ssettm $0x7FFFFFFF  }
0xc3: {  	_ =	shalt  }
tec
execute0_lowered:
.L_overlay_start_1:
0x0: {  	(tag) =	ssettag $0x1  }
0x1: {  	s5 =	rddreg [dreg:$0x0]  }
0x2: {  	s2 =	rddreg [dreg:$0x1];
	s3 =	srdreg.scid  }
0x3: {  	s1 =	stileid.u32;
	s0 =	rddreg [dreg:$0x2];
	s13 =	simm.s32 $0x2800  }
0x4: {  	s14 =	simm.s32 $0x3C00;
	s15 =	simm.s32 $0x80;
	s16 =	simm.s32 $0x1  }
0x5: {  	s17 =	simm.s32 $0x2;
	s18 =	simm.s32 $0x0;
	s6 =	sand.u32 $0x1, s3  }
0x6: {  	s7 =	smul.u32 $0x2800, s1;
	s3 =	simm.s32 $0x0;
	s31 =	sshll.u32 s1, $0x6  }
0x7: {  	s4 =	sshll.u32 s6, $0x4;
	s8 =	smul.u32 $0x28000, s6;
	[smem:$0x7FF] =	sst s3  }
0x8: {  	s6 =	ssub.s32 $0x2, s6;
	s4 =	sor.u32 s1, s4;
	_ =	strace $0x8000004D  }
0x9: {  	s29 =	sshrl.u32 s6, $0x1;
	s30 =	sshrl.u32 s7, $0x3;
	s12 =	sadd.s32 s7, s2  }
0xa: {  	s9 =	smul.u32 $0x280, s4;
	s8 =	sadd.s32 s7, s8;
	s4 =	sadd.s32 $0xB800, s5  }
0xb: {  	s11 =	ssub.s32 s6, s29;
	s6 =	sor.u32 $0x1C03, s31;
	s8 =	sshrl.u32 s8, $0x3  }
0xc: {  	s9 =	sadd.s32 s9, s5;
	s10 =	sadd.s32 s8, s5;
	s5 =	sadd.s32 s4, s30  }
0xd: {  	s7 =	sadd.s32 $0x1800, s9;
	s8 =	sadd.s32 $0x6800, s9;
	s9 =	sadd.s32 $0x10800, s10  }
0xe: {  	s10 =	smax.u32 s11, $0x1;
	s11 =	sshrl.u32 s12, $0x3;
	s12 =	simm.s32 $0x3  }
.LBB2_1:
0xf: {  	[spmem:s11], [sflag:s6] =	dma.local [hbm:s5], $0x500  }
0x10: {  	_ =	swait.ge [sflag:s12], $0x500  }
0x11: {  	[sflag:s12] =	ssyncset.done $0x0  }
0x12: {  	[sflag:s12] =	ssyncadd.s32 $0xFFFFFB00  }
0x13: {  	[tilespmem:s13], [sflag:$0x3] =	stream.linear.gather [hbm4b:s7+s3], $0x1400, $0x38;
	[tilespmem:$0x19000] =	vst v63  }
0x14: {  	_ =	swait.ge [sflag:s12], $0x1400  }
0x15: {  	[sflag:s12] =	ssyncset.done $0x0  }
0x16: {  	[sflag:s12] =	ssyncadd.s32 $0xFFFFEC00  }
0x17: {  	[tilespmem:s14], [sflag:$0x3] =	stream.linear.gather [hbm4b:s8+s3], $0x1400, $0x38;
	[tilespmem:$0x19000] =	vst v63  }
0x18: {  	_ =	swait.ge [sflag:s12], $0x1400  }
0x19: {  	[sflag:s12] =	ssyncset.done $0x0  }
0x1a: {  	[sflag:s12] =	ssyncadd.s32 $0xFFFFEC00  }
0x1b: {  	s19 =	simm.s32 $0x5000;
	s20 =	simm.s32 $0x0;
	[bflag:$0x0] =	sbarrier.arrive $0xFFFF  }
.LBB2_2:
0x1c: {  	p0 =	sne.s32 s20, $0x4E00  }
.Ltmp0:
0x1d: {  	_ = 	snop;
	(pc) =	sbr.rel @p0 .LBB2_2-.Ltmp0, $4  }
0x1e: {  	s21 =	sshra.s32 s20, $0x2  }
0x1f: {  	s21 =	sadd.s32 $0x2800, s21  }
0x20: {  	[tilespmem:s19], [sflag:$0x1] =	stream.indirect.gather [hbm4b:s4+s15], $0x10, s21, s15, $0xb8;
	[tilespmem:$0x19000] =	vst v63  }
0x21: {  	s20 =	sadd.s32 $0x200, s20;
	s19 =	sadd.s32 $0x800, s19  }
0x22: {  	s19 =	simm.s32 $0x28  }
.LBB2_4:
0x23: {  	p0 =	sne.s32 s19, $0x1  }
.Ltmp1:
0x24: {  	_ = 	snop;
	(pc) =	sbr.rel @p0 .LBB2_4-.Ltmp1, $4  }
0x25: {  	_ = 	snop  }
0x26: {  	_ =	swait.ge [sflag:s16], $0x800  }
0x27: {  	[sflag:s16] =	ssyncset.done $0x0  }
0x28: {  	s19 =	sadd.s32 $0xFFFFFFFF, s19;
	[sflag:s16] =	ssyncadd.s32 $0xFFFFF800  }
0x29: {  	s19 =	simm.s32 $0x0;
	s20 =	simm.s32 $0x5000  }
.LBB2_6:
0x2a: {  	p0 =	sne.s32 s19, $0x4E00  }
.Ltmp2:
0x2b: {  	_ = 	snop;
	(pc) =	sbr.rel @p0 .LBB2_6-.Ltmp2, $4  }
0x2c: {  	s21 =	sshra.s32 s19, $0x2  }
0x2d: {  	s21 =	sadd.s32 $0x3C00, s21  }
0x2e: {  	[spmem:s2] =	stream.indirect.scatter.add.f32 [tilespmem:s20], [sflag:$0x2], $0x10, s21, s15, $0xb8;
	[tilespmem:$0x19000] =	vst v63  }
0x2f: {  	s19 =	sadd.s32 $0x200, s19;
	s20 =	sadd.s32 $0x800, s20  }
0x30: {  	_ =	swait.ge [sflag:s17], $0x800  }
0x31: {  	s19 =	simm.s32 $0x27;
	[sflag:s17] =	ssyncset.done $0x0  }
.LBB2_8:
0x32: {  	p0 =	sne.s32 s19, $0x1;
	s19 =	sadd.s32 $0xFFFFFFFF, s19;
	[sflag:s17] =	ssyncadd.s32 $0xFFFFF800  }
.Ltmp3:
0x33: {  	(pc) =	sbr.rel @p0 .LBB2_8-.Ltmp3, $3  }
0x34: {  	_ =	sdelay $0x1  }
0x35: {  	_ =	swait.ge [sflag:s17], $0x800  }
0x36: {  	[sflag:s17] =	ssyncset.done $0x0  }
0x37: {  	s18 =	sadd.s32 $0x1, s18  }
0x38: {  	[sflag:s17] =	ssyncadd.s32 $0xFFFFF800;
	p0 =	sne.s32 s18, s10  }
.Ltmp4:
0x39: {  	[bflag:$0x0] =	sbarrier.arrive $0xFFFF;
	(pc) =	sbr.rel @p0 .LBB2_1-.Ltmp4, $4  }
0x3a: {  	[hbm:s9], [sflag:s6] =	dma.local [spmem:s11], $0x500  }
0x3b: {  	_ =	swait.ge [sflag:s12], $0x500  }
0x3c: {  	[sflag:s12] =	ssyncset.done $0x0  }
0x3d: {  	[sflag:s12] =	ssyncadd.s32 $0xFFFFFB00  }
0x3e: {  	_ =	sfence.sel $0x180000  }
0x3f: {  	[bflag:$0x0] =	sbarrier.arrive $0xFFFF  }
0x40: {  	p0 =	sne.s32 s1, $0x0;
	_ =	strace $0x9000004D  }
0x41: {  	s0 =	sadd.s32 @!p0 $0x100000, s0;
	[bflag:$0x2] =	sbarrier.arrive $0xFFFF  }
0x42: {  	[sflag:s0] =	ssyncadd.tile.s32 @!p0 $0x1;
	_ =	shalt  }
.Lfunc_end2:
_tile_overlayer_lowered:
.L_overlay_start_2:
0x43: {  	(tag) =	ssettag $0x2  }
0x44: {  	s0 =	rddreg [dreg:$0x0];
	s2 =	stileid.u32  }
0x45: {  	s1 =	rddreg [dreg:$0x1];
	p0 =	sne.s32 s2, $0x0  }
0x46: {  	s3 =	rddreg [dreg:$0x2];
	[bflag:$0x3] =	sbarrier.arrive $0xFFFF;
	s2 =	simm.s32 @!p0 $0x1C03  }
0x47: {  	[timem:s3], [sflag:s2] =	dma.local @!p0 [hbm:s0], s1  }
0x48: {  	s0 =	simm.s32 @!p0 $0x3  }
0x49: {  	_ =	swait.ge @!p0 [sflag:s0], s1  }
0x4a: {  	s1 =	ssub.s32 @!p0 $0x0, s1;
	[sflag:s0] =	ssyncset.done @!p0 $0x0  }
0x4b: {  	[sflag:s0] =	ssyncadd.s32 @!p0 s1  }
0x4c: {  	[bflag:$0x3] =	sbarrier.arrive $0xFFFF  }
0x4d: {  	_ =	shalt  }

// kernel: kernel.9.cloned.1.call-start
scs
__scs_entry_jumppad:
0x0: {  	(pc) =	sbr.rel $0x88, $3  }
0x1: {  	(tag) =	ssettag $0x0;
	lr =	simm.s32 $0x1  }
0x2: {  	[smem:$0x3F9B] =	sst lr;
	_ =	strace $0xD0000000  }
0x3: {  	_ = 	snop  }
0x4: {  	_ = 	snop  }
0x5: {  	_ = 	snop  }
0x6: {  	_ = 	snop  }
0x7: {  	_ = 	snop  }
__scs_overlays_trampoline_lowered:
0x8: {  	[smem:$0x3FAA] =	sst s0  }
0x9: {  	[smem:$0x3FAB] =	sst s1  }
0xa: {  	[smem:$0x3FAC] =	sst s2  }
0xb: {  	[smem:$0x3FAD] =	sst s3  }
0xc: {  	[smem:$0x3FAE] =	sst s4  }
0xd: {  	[smem:$0x3FAF] =	sst s5  }
0xe: {  	[smem:$0x3FB0] =	sst s6  }
0xf: {  	[smem:$0x3FB1] =	sst s7  }
0x10: {  	[smem:$0x3FB2] =	sst s8  }
0x11: {  	[smem:$0x3FB3] =	sst s9;
	s0 =	simm.s32 @!p0 $0x0  }
0x12: {  	s1 =	sld [smem:$0x3F99];
	s0 =	simm.s32 @p0 $0x1  }
0x13: {  	[smem:$0x3FB4] =	sst s0;
	s0 =	simm.s32 @!p1 $0x0  }
0x14: {  	s2 =	sld [smem:$0x3F98];
	s0 =	simm.s32 @p1 $0x1  }
0x15: {  	[smem:$0x3FB5] =	sst s0;
	s0 =	simm.s32 @!p2 $0x0  }
0x16: {  	s3 =	sld [smem:$0x3FDB];
	s0 =	simm.s32 @p2 $0x1  }
0x17: {  	s4 =	simm.s32 $0x1BF5;
	[smem:$0x3FB7] =	sst s0  }
0x18: {  	s0 =	sld [smem:$0x3F9A];
	_ =	swait.ge [sflag:s4], $0x0  }
0x19: {  	s7 =	sld [smem:$0x3F9B]  }
0x1a: {  	s8 =	sadd.s32 $0xFFFFE003, lr  }
0x1b: {  	s9 =	sadd.s32 $0xFFFFFEF7, lr;
	s5 =	simm.s32 $0xFFFFFFFF;
	p2 =	slt.u32 s8, $0xFFFFF086  }
0x1c: {  	p1 =	slt.u32 s9, $0xF7A;
	s5 =	simm.s32 @!p2 $0x0  }
0x1d: {  	s5 =	simm.s32 @p1 $0x1;
	p0 =	seq.s32 s7, s2  }
0x1e: {  	s7 =	smul.u32 @!p0 $0xF7A, s2;
	p2 =	seq.s32 @!p0 s5, $0x0  }
0x1f: {  	s9 =	smul.u32 $0xF7A, s1;
	s8 =	simm.s32 @!p0 $0x1BF5;
	p2 =	por !p2, p0  }
0x20: {  	[sflag:s8] =	ssyncset.s32 @!p0 $0xFFFFF086;
	s6 =	sadd.s32 @!p0 s3, s7;
	s7 =	simm.s32 @!p0 $0x108  }
0x21: {  	s3 =	sadd.s32 s3, s9;
	s6 =	sadd.s32 @!p0 $0x88, s6;
	s7 =	simm.s32 @p2 $0x1082  }
0x22: {  	[simem:s7], [sflag:s8] =	dma.local @!p0 [hbm:s6], $0xF7A  }
0x23: {  	s9 =	sor.u32 $0xD0000000, s2;
	s6 =	simm.s32 $0x108;
	_ =	swait.ge @!p0 [sflag:s8], $0x0  }
0x24: {  	s3 =	sadd.s32 $0x88, s3;
	s6 =	simm.s32 @!p1 $0x1082;
	[sflag:s4] =	ssyncset.s32 $0xFFFFF086  }
0x25: {  	[simem:s6], [sflag:s4] =	dma.local [hbm:s3], $0xF7A  }
0x26: {  	[smem:$0x3F9B] =	sst s1;
	(tag) =	ssettag s2;
	_ =	strace s9  }
0x27: {  	s1 =	sld [smem:$0x3FAB]  }
0x28: {  	s2 =	sld [smem:$0x3FAC]  }
0x29: {  	s4 =	sld [smem:$0x3FAE]  }
0x2a: {  	p0 =	seq.s32 s5, $0x0;
	s5 =	sld [smem:$0x3FAF]  }
0x2b: {  	s6 =	sld [smem:$0x3FB0]  }
0x2c: {  	s7 =	sld [smem:$0x3FB1]  }
0x2d: {  	s3 =	simm.s32 $0x108;
	s8 =	sld [smem:$0x3FB2]  }
0x2e: {  	s3 =	simm.s32 @!p0 $0x1082;
	s9 =	sld [smem:$0x3FB3]  }
0x2f: {  	lr =	sadd.s32 s0, s3;
	s0 =	sld [smem:$0x3FAA]  }
0x30: {  	s3 =	sld [smem:$0x3FAD]  }
0x31: {  	[smem:$0x3FB6] =	sst s10  }
0x32: {  	s10 =	sld [smem:$0x3FB4];
	_ =	sdelay $0x3  }
0x33: {  	p0 =	seq.s32 s10, $0x1;
	s10 =	sld [smem:$0x3FB6];
	_ =	sdelay $0x3  }
0x34: {  	[smem:$0x3FB6] =	sst s10  }
0x35: {  	s10 =	sld [smem:$0x3FB5];
	_ =	sdelay $0x3  }
0x36: {  	p1 =	seq.s32 s10, $0x1;
	s10 =	sld [smem:$0x3FB6];
	_ =	sdelay $0x3  }
0x37: {  	[smem:$0x3FB6] =	sst s10  }
0x38: {  	s10 =	sld [smem:$0x3FB7]  }
0x39: {  	_ = 	snop;
	(pc) =	sbr.ind lr, $3  }
0x3a: {  	_ = 	snop  }
0x3b: {  	_ = 	snop  }
0x3c: {  	p2 =	seq.s32 s10, $0x1;
	s10 =	sld [smem:$0x3FB6]  }
0x3d: {  	_ =	shalt  }
0x3e: {  	_ =	shalt  }
0x3f: {  	_ =	shalt  }
0x40: {  	_ =	shalt  }
0x41: {  	_ =	shalt  }
0x42: {  	_ =	shalt  }
0x43: {  	_ =	shalt  }
0x44: {  	_ =	shalt  }
0x45: {  	_ =	shalt  }
0x46: {  	_ =	shalt  }
0x47: {  	_ =	shalt  }
0x48: {  	_ =	shalt  }
0x49: {  	_ =	shalt  }
0x4a: {  	_ =	shalt  }
0x4b: {  	_ =	shalt  }
0x4c: {  	_ =	shalt  }
0x4d: {  	_ =	shalt  }
0x4e: {  	_ =	shalt  }
0x4f: {  	_ =	shalt  }
0x50: {  	_ =	shalt  }
0x51: {  	_ =	shalt  }
0x52: {  	_ =	shalt  }
0x53: {  	_ =	shalt  }
0x54: {  	_ =	shalt  }
0x55: {  	_ =	shalt  }
0x56: {  	_ =	shalt  }
0x57: {  	_ =	shalt  }
0x58: {  	_ =	shalt  }
0x59: {  	_ =	shalt  }
0x5a: {  	_ =	shalt  }
0x5b: {  	_ =	shalt  }
0x5c: {  	_ =	shalt  }
0x5d: {  	_ =	shalt  }
0x5e: {  	_ =	shalt  }
0x5f: {  	_ =	shalt  }
0x60: {  	_ =	shalt  }
0x61: {  	_ =	shalt  }
0x62: {  	_ =	shalt  }
0x63: {  	_ =	shalt  }
0x64: {  	_ =	shalt  }
0x65: {  	_ =	shalt  }
0x66: {  	_ =	shalt  }
0x67: {  	_ =	shalt  }
0x68: {  	_ =	shalt  }
0x69: {  	_ =	shalt  }
0x6a: {  	_ =	shalt  }
0x6b: {  	_ =	shalt  }
0x6c: {  	_ =	shalt  }
0x6d: {  	_ =	shalt  }
0x6e: {  	_ =	shalt  }
0x6f: {  	_ =	shalt  }
0x70: {  	_ =	shalt  }
0x71: {  	_ =	shalt  }
0x72: {  	_ =	shalt  }
0x73: {  	_ =	shalt  }
0x74: {  	_ =	shalt  }
0x75: {  	_ =	shalt  }
0x76: {  	_ =	shalt  }
0x77: {  	_ =	shalt  }
0x78: {  	_ =	shalt  }
0x79: {  	_ =	shalt  }
0x7a: {  	_ =	shalt  }
0x7b: {  	_ =	shalt  }
0x7c: {  	_ =	shalt  }
0x7d: {  	_ =	shalt  }
0x7e: {  	_ =	shalt  }
0x7f: {  	_ =	shalt  }
0x80: {  	_ =	shalt  }
0x81: {  	_ =	shalt  }
0x82: {  	_ =	shalt  }
0x83: {  	_ =	shalt  }
0x84: {  	_ =	shalt  }
0x85: {  	_ =	shalt  }
0x86: {  	_ =	shalt  }
0x87: {  	_ =	shalt  }
.Lfunc_end0:
.L_simem_size_0:
called_computation_lowered:
.L_overlay_start_0:
0x88: {  	s2 =	sld [smem:$0x3FD9]  }
0x89: {  	s3 =	sld [smem:$0x3FFE];
	_ =	sdelay $0x1  }
0x8a: {  	s1 =	srdreg.scid  }
0x8b: {  	s0 =	sand.u32 $0x1, s1  }
0x8c: {  	s16 =	sshll.u32 s0, $0xA;
	s2 =	sadd.s32 s3, s2  }
0x8d: {  	s2 =	sadd.s32 s2, s16  }
0x8e: {  	[smem:$0x3FC2] =	sst s2  }
0x8f: {  	_ = 	snop  }
0x90: {  	(tm) =	ssettm $0x1  }
0x91: {  	s17 =	sld [smem:$0x3FFB];
	_ =	sdelay $0x3  }
0x92: {  	_ =	strace s17  }
0x93: {  	s2 =	sld [smem:$0x3FFC];
	_ =	sdelay $0x3  }
0x94: {  	_ =	strace s2  }
0x95: {  	s2 =	sld [smem:$0x3FFD];
	_ =	sdelay $0x3  }
0x96: {  	_ =	strace s2  }
0x97: {  	_ =	strace $0x8FFFFFFF  }
0x98: {  	s18 =	sld [smem:$0x3FDB];
	_ =	sdelay $0x1  }
0x99: {  	s19 =	simm.s32 $_scs_section_size  }
0x9a: {  	s4 =	simm.s32 $_size__tile_overlayer_lowered;
	s5 =	simm.s32 $_tile_overlayer_lowered  }
0x9b: {  	s22 =	simm.s32 $0x1BFF;
	s21 =	sshll.u32 s5, $0x1;
	s2 =	sadd.s32 s19, s18  }
0x9c: {  	s6 =	simm.s32 $0x0;
	s20 =	sshll.u32 s4, $0x1;
	s4 =	sadd.s32 s21, s2  }
0x9d: {  	[timem:s6], [sflag:s22] =	dma.local [hbm:s4], s20  }
0x9e: {  	_ =	swait.ge [sflag:s22], s20  }
0x9f: {  	s3 =	ssub.s32 $0x0, s20;
	[sflag:s22] =	ssyncset.done $0x0  }
0xa0: {  	[sflag:s22] =	ssyncadd.s32 s3;
	_ =	sdelay $0x1  }
0xa1: {  	s23 =	simm.s32 $0x1B8B  }
0xa2: {  	_ =	swait.ge [sflag:s23], $0x1  }
0xa3: {  	[sflag:s23] =	ssyncset.done $0x0  }
0xa4: {  	s25 =	simm.s32 $0x1B8E;
	s24 =	sld [smem:$0x3FFE];
	[sflag:s23] =	ssyncadd.s32 $0xFFFFFFFF  }
0xa5: {  	s26 =	simm.s32 $execute0_lowered;
	[smem:$0x3FD2] =	sst s25  }
0xa6: {  	s4 =	sshll.u32 s26, $0x1;
	_ =	strace $0x80000046;
	[dreg:$0x1] =	wrdreg $0xFFFFFFFF  }
0xa7: {  	s28 =	simm.s32 $_size_execute0_lowered;
	s2 =	sadd.s32 s2, s4;
	[dreg:$0x0] =	wrdreg $0x0  }
0xa8: {  	s4 =	sshll.u32 s28, $0x1;
	[dreg:$0x2] =	wrdreg s2  }
0xa9: {  	[dreg:$0x3] =	wrdreg s4  }
0xaa: {  	[dreg:$0x4] =	wrdreg $0xC0  }
0xab: {  	_ =	task [dreg:s6], $0x5FFFF  }
0xac: {  	[dreg:$0x1] =	wrdreg $0xFFFFFFFF  }
0xad: {  	[dreg:$0x0] =	wrdreg $0x60  }
0xae: {  	[dreg:$0x2] =	wrdreg s24  }
0xaf: {  	[dreg:$0x3] =	wrdreg $0x0  }
0xb0: {  	[dreg:$0x4] =	wrdreg $0x9  }
0xb1: {  	_ =	task.clear_ibuf [dreg:s6], $0x5FFFF;
	_ =	strace $0x90000046  }
0xb2: {  	s29 =	simm.s32 $0x9;
	_ =	strace $0x80000048  }
0xb3: {  	_ =	swait.ge [sflag:s29], $0x1  }
0xb4: {  	[sflag:s29] =	ssyncadd.s32 $0xFFFFFFFF  }
0xb5: {  	_ =	strace $0x90000048  }
0xb6: {  	_ =	sfence  }
0xb7: {  	s30 =	sld [smem:$0x0];
	_ =	sdelay $0x2  }
0xb8: {  	s31 =	sshll.u32 s1, $0xD;
	s1 =	sshrl.u32 s1, $0x2  }
0xb9: {  	s3 =	sand.u32 $0x4000, s31;
	s1 =	sadd.s32 s1, s30  }
0xba: {  	s0 =	sor.u32 s3, s0;
	s1 =	sshll.u32 s1, $0x11  }
0xbb: {  	s0 =	sor.u32 s1, s0  }
0xbc: {  	s0 =	sadd.s32 $0x8F2B, s0  }
0xbd: {  	[sflag:s0] =	ssyncadd.remote.s32 $0x1  }
0xbe: {  	_ =	sfence.sel $0xFFFF  }
0xbf: {  	[dreg:$0x0] =	wrdreg $0xFFFFFFFF;
	(pc) =	sbr.abs _section_cstart, $3  }
0xc0: {  	[dreg:$0x1] =	wrdreg $0xFFFFFFFF  }
0xc1: {  	_ =	task.clear_ibuf [dreg:s6], $0x2FFFF;
	_ =	strace $0x9FFFFFFF  }
0xc2: {  	(tm) =	ssettm $0x7FFFFFFF  }
0xc3: {  	_ =	shalt  }
tec
execute0_lowered:
.L_overlay_start_1:
0x0: {  	(tag) =	ssettag $0x1  }
0x1: {  	s0 =	rddreg [dreg:$0x0]  }
0x2: {  	s2 =	rddreg [dreg:$0x1];
	s1 =	srdreg.scid  }
0x3: {  	s9 =	stileid.u32;
	s3 =	simm.s32 $0x0;
	s11 =	simm.s32 $0x2  }
0x4: {  	s12 =	simm.s32 $0x3C00;
	s13 =	simm.s32 $0x2800;
	s14 =	simm.s32 $0x80  }
0x5: {  	s21 =	simm.s32 $0x3480;
	s22 =	simm.s32 $0x3500;
	s23 =	simm.s32 $0x3580  }
0x6: {  	s24 =	simm.s32 $0x3600;
	s25 =	simm.s32 $0x3680;
	s28 =	simm.s32 $0x3780  }
0x7: {  	s29 =	simm.s32 $0x3800;
	s30 =	simm.s32 $0x3880;
	s31 =	simm.s32 $0x3900  }
0x8: {  	s15 =	simm.s32 $0x3A80;
	s16 =	simm.s32 $0x3B00;
	s17 =	simm.s32 $0x3B80  }
0x9: {  	s18 =	simm.s32 $0x1;
	s19 =	simm.s32 $0x0;
	s1 =	sand.u32 $0x1, s1  }
0xa: {  	s5 =	smul.u32 $0x2800, s9;
	[smem:$0x7FF] =	sst s3;
	s26 =	sshll.u32 s9, $0x6  }
0xb: {  	s4 =	sshll.u32 s1, $0x4;
	s6 =	smul.u32 $0x28000, s1;
	s1 =	ssub.s32 $0x2, s1  }
0xc: {  	_ =	strace $0x80000047;
	s4 =	sor.u32 s9, s4;
	s8 =	sshrl.u32 s1, $0x1  }
0xd: {  	s10 =	sadd.s32 s5, s2;
	s7 =	smul.u32 $0x280, s4;
	s6 =	sadd.s32 s5, s6  }
0xe: {  	s4 =	sadd.s32 $0xB800, s0;
	s1 =	ssub.s32 s1, s8;
	s5 =	sshrl.u32 s5, $0x3  }
0xf: {  	s10 =	sshrl.u32 s10, $0x3;
	s6 =	sshrl.u32 s6, $0x3;
	s5 =	sadd.s32 s4, s5  }
0x10: {  	s9 =	smax.u32 s1, $0x1;
	s1 =	simm.s32 $0x3A00;
	s7 =	sadd.s32 s7, s0  }
0x11: {  	s0 =	sadd.s32 s6, s0;
	s6 =	sor.u32 $0x1C02, s26;
	s26 =	simm.s32 $0x3700  }
0x12: {  	s7 =	sadd.s32 $0x6800, s7;
	s8 =	sadd.s32 $0x10800, s0;
	s0 =	simm.s32 $0x3980  }
.LBB2_1:
0x13: {  	[spmem:s10], [sflag:s6] =	dma.local [hbm:s5], $0x500  }
0x14: {  	_ =	swait.ge [sflag:s11], $0x500  }
0x15: {  	[sflag:s11] =	ssyncset.done $0x0  }
0x16: {  	[sflag:s11] =	ssyncadd.s32 $0xFFFFFB00  }
0x17: {  	[tilespmem:s12], [sflag:$0x2] =	stream.linear.gather [hbm4b:s4+s3], $0x800, $0x38;
	[tilespmem:$0x4400] =	vst v63  }
0x18: {  	_ =	swait.ge [sflag:s11], $0x800  }
0x19: {  	[sflag:s11] =	ssyncset.done $0x0  }
0x1a: {  	[sflag:s11] =	ssyncadd.s32 $0xFFFFF800  }
0x1b: {  	[tilespmem:s13], [sflag:$0x2] =	stream.linear.gather [hbm4b:s7+s3], $0x1400, $0x38;
	[tilespmem:$0x4400] =	vst v63  }
0x1c: {  	_ =	swait.ge [sflag:s11], $0x1400  }
0x1d: {  	[sflag:s11] =	ssyncset.done $0x0  }
0x1e: {  	[sflag:s11] =	ssyncadd.s32 $0xFFFFEC00  }
0x1f: {  	[bflag:$0x0] =	sbarrier.arrive $0xFFFF  }
0x20: {  	[spmem:s2] =	stream.indirect.scatter.add.f32 [tilespmem:s12], [sflag:$0x1], $0x10, s13, s14, $0xb8;
	[tilespmem:$0x4400] =	vst v63  }
0x21: {  	s20 =	simm.s32 $0x2880  }
0x22: {  	[spmem:s2] =	stream.indirect.scatter.add.f32 [tilespmem:s12], [sflag:$0x1], $0x10, s20, s14, $0xb8;
	[tilespmem:$0x4400] =	vst v63  }
0x23: {  	s20 =	simm.s32 $0x2900  }
0x24: {  	[spmem:s2] =	stream.indirect.scatter.add.f32 [tilespmem:s12], [sflag:$0x1], $0x10, s20, s14, $0xb8;
	[tilespmem:$0x4400] =	vst v63  }
0x25: {  	s20 =	simm.s32 $0x2980  }
0x26: {  	[spmem:s2] =	stream.indirect.scatter.add.f32 [tilespmem:s12], [sflag:$0x1], $0x10, s20, s14, $0xb8;
	[tilespmem:$0x4400] =	vst v63  }
0x27: {  	s20 =	simm.s32 $0x2A00  }
0x28: {  	[spmem:s2] =	stream.indirect.scatter.add.f32 [tilespmem:s12], [sflag:$0x1], $0x10, s20, s14, $0xb8;
	[tilespmem:$0x4400] =	vst v63  }
0x29: {  	s20 =	simm.s32 $0x2A80  }
0x2a: {  	[spmem:s2] =	stream.indirect.scatter.add.f32 [tilespmem:s12], [sflag:$0x1], $0x10, s20, s14, $0xb8;
	[tilespmem:$0x4400] =	vst v63  }
0x2b: {  	s20 =	simm.s32 $0x2B00  }
0x2c: {  	[spmem:s2] =	stream.indirect.scatter.add.f32 [tilespmem:s12], [sflag:$0x1], $0x10, s20, s14, $0xb8;
	[tilespmem:$0x4400] =	vst v63  }
0x2d: {  	s20 =	simm.s32 $0x2B80  }
0x2e: {  	[spmem:s2] =	stream.indirect.scatter.add.f32 [tilespmem:s12], [sflag:$0x1], $0x10, s20, s14, $0xb8;
	[tilespmem:$0x4400] =	vst v63  }
0x2f: {  	s20 =	simm.s32 $0x2C00  }
0x30: {  	[spmem:s2] =	stream.indirect.scatter.add.f32 [tilespmem:s12], [sflag:$0x1], $0x10, s20, s14, $0xb8;
	[tilespmem:$0x4400] =	vst v63  }
0x31: {  	s20 =	simm.s32 $0x2C80  }
0x32: {  	[spmem:s2] =	stream.indirect.scatter.add.f32 [tilespmem:s12], [sflag:$0x1], $0x10, s20, s14, $0xb8;
	[tilespmem:$0x4400] =	vst v63  }
0x33: {  	s20 =	simm.s32 $0x2D00  }
0x34: {  	[spmem:s2] =	stream.indirect.scatter.add.f32 [tilespmem:s12], [sflag:$0x1], $0x10, s20, s14, $0xb8;
	[tilespmem:$0x4400] =	vst v63  }
0x35: {  	s20 =	simm.s32 $0x2D80  }
0x36: {  	[spmem:s2] =	stream.indirect.scatter.add.f32 [tilespmem:s12], [sflag:$0x1], $0x10, s20, s14, $0xb8;
	[tilespmem:$0x4400] =	vst v63  }
0x37: {  	s20 =	simm.s32 $0x2E00  }
0x38: {  	[spmem:s2] =	stream.indirect.scatter.add.f32 [tilespmem:s12], [sflag:$0x1], $0x10, s20, s14, $0xb8;
	[tilespmem:$0x4400] =	vst v63  }
0x39: {  	s20 =	simm.s32 $0x2E80  }
0x3a: {  	[spmem:s2] =	stream.indirect.scatter.add.f32 [tilespmem:s12], [sflag:$0x1], $0x10, s20, s14, $0xb8;
	[tilespmem:$0x4400] =	vst v63  }
0x3b: {  	s20 =	simm.s32 $0x2F00  }
0x3c: {  	[spmem:s2] =	stream.indirect.scatter.add.f32 [tilespmem:s12], [sflag:$0x1], $0x10, s20, s14, $0xb8;
	[tilespmem:$0x4400] =	vst v63  }
0x3d: {  	s20 =	simm.s32 $0x2F80  }
0x3e: {  	[spmem:s2] =	stream.indirect.scatter.add.f32 [tilespmem:s12], [sflag:$0x1], $0x10, s20, s14, $0xb8;
	[tilespmem:$0x4400] =	vst v63  }
0x3f: {  	s20 =	simm.s32 $0x3000  }
0x40: {  	[spmem:s2] =	stream.indirect.scatter.add.f32 [tilespmem:s12], [sflag:$0x1], $0x10, s20, s14, $0xb8;
	[tilespmem:$0x4400] =	vst v63  }
0x41: {  	s20 =	simm.s32 $0x3080  }
0x42: {  	[spmem:s2] =	stream.indirect.scatter.add.f32 [tilespmem:s12], [sflag:$0x1], $0x10, s20, s14, $0xb8;
	[tilespmem:$0x4400] =	vst v63  }
0x43: {  	s20 =	simm.s32 $0x3100  }
0x44: {  	[spmem:s2] =	stream.indirect.scatter.add.f32 [tilespmem:s12], [sflag:$0x1], $0x10, s20, s14, $0xb8;
	[tilespmem:$0x4400] =	vst v63  }
0x45: {  	s20 =	simm.s32 $0x3180  }
0x46: {  	[spmem:s2] =	stream.indirect.scatter.add.f32 [tilespmem:s12], [sflag:$0x1], $0x10, s20, s14, $0xb8;
	[tilespmem:$0x4400] =	vst v63  }
0x47: {  	s20 =	simm.s32 $0x3200  }
0x48: {  	[spmem:s2] =	stream.indirect.scatter.add.f32 [tilespmem:s12], [sflag:$0x1], $0x10, s20, s14, $0xb8;
	[tilespmem:$0x4400] =	vst v63  }
0x49: {  	s20 =	simm.s32 $0x3280  }
0x4a: {  	[spmem:s2] =	stream.indirect.scatter.add.f32 [tilespmem:s12], [sflag:$0x1], $0x10, s20, s14, $0xb8;
	[tilespmem:$0x4400] =	vst v63  }
0x4b: {  	s20 =	simm.s32 $0x3300  }
0x4c: {  	[spmem:s2] =	stream.indirect.scatter.add.f32 [tilespmem:s12], [sflag:$0x1], $0x10, s20, s14, $0xb8;
	[tilespmem:$0x4400] =	vst v63  }
0x4d: {  	s20 =	simm.s32 $0x3380  }
0x4e: {  	[spmem:s2] =	stream.indirect.scatter.add.f32 [tilespmem:s12], [sflag:$0x1], $0x10, s20, s14, $0xb8;
	[tilespmem:$0x4400] =	vst v63  }
0x4f: {  	s20 =	simm.s32 $0x3400  }
0x50: {  	[spmem:s2] =	stream.indirect.scatter.add.f32 [tilespmem:s12], [sflag:$0x1], $0x10, s20, s14, $0xb8;
	[tilespmem:$0x4400] =	vst v63  }
0x51: {  	_ = 	snop  }
0x52: {  	[spmem:s2] =	stream.indirect.scatter.add.f32 [tilespmem:s12], [sflag:$0x1], $0x10, s21, s14, $0xb8;
	[tilespmem:$0x4400] =	vst v63  }
0x53: {  	_ = 	snop  }
0x54: {  	[spmem:s2] =	stream.indirect.scatter.add.f32 [tilespmem:s12], [sflag:$0x1], $0x10, s22, s14, $0xb8;
	[tilespmem:$0x4400] =	vst v63  }
0x55: {  	_ = 	snop  }
0x56: {  	[spmem:s2] =	stream.indirect.scatter.add.f32 [tilespmem:s12], [sflag:$0x1], $0x10, s23, s14, $0xb8;
	[tilespmem:$0x4400] =	vst v63  }
0x57: {  	_ = 	snop  }
0x58: {  	[spmem:s2] =	stream.indirect.scatter.add.f32 [tilespmem:s12], [sflag:$0x1], $0x10, s24, s14, $0xb8;
	[tilespmem:$0x4400] =	vst v63  }
0x59: {  	_ = 	snop  }
0x5a: {  	[spmem:s2] =	stream.indirect.scatter.add.f32 [tilespmem:s12], [sflag:$0x1], $0x10, s25, s14, $0xb8;
	[tilespmem:$0x4400] =	vst v63  }
0x5b: {  	_ = 	snop  }
0x5c: {  	[spmem:s2] =	stream.indirect.scatter.add.f32 [tilespmem:s12], [sflag:$0x1], $0x10, s26, s14, $0xb8;
	[tilespmem:$0x4400] =	vst v63  }
0x5d: {  	_ = 	snop  }
0x5e: {  	[spmem:s2] =	stream.indirect.scatter.add.f32 [tilespmem:s12], [sflag:$0x1], $0x10, s28, s14, $0xb8;
	[tilespmem:$0x4400] =	vst v63  }
0x5f: {  	_ = 	snop  }
0x60: {  	[spmem:s2] =	stream.indirect.scatter.add.f32 [tilespmem:s12], [sflag:$0x1], $0x10, s29, s14, $0xb8;
	[tilespmem:$0x4400] =	vst v63  }
0x61: {  	_ = 	snop  }
0x62: {  	[spmem:s2] =	stream.indirect.scatter.add.f32 [tilespmem:s12], [sflag:$0x1], $0x10, s30, s14, $0xb8;
	[tilespmem:$0x4400] =	vst v63  }
0x63: {  	_ = 	snop  }
0x64: {  	[spmem:s2] =	stream.indirect.scatter.add.f32 [tilespmem:s12], [sflag:$0x1], $0x10, s31, s14, $0xb8;
	[tilespmem:$0x4400] =	vst v63  }
0x65: {  	_ = 	snop  }
0x66: {  	[spmem:s2] =	stream.indirect.scatter.add.f32 [tilespmem:s12], [sflag:$0x1], $0x10, s0, s14, $0xb8;
	[tilespmem:$0x4400] =	vst v63  }
0x67: {  	_ = 	snop  }
0x68: {  	[spmem:s2] =	stream.indirect.scatter.add.f32 [tilespmem:s12], [sflag:$0x1], $0x10, s1, s14, $0xb8;
	[tilespmem:$0x4400] =	vst v63  }
0x69: {  	_ = 	snop  }
0x6a: {  	[spmem:s2] =	stream.indirect.scatter.add.f32 [tilespmem:s12], [sflag:$0x1], $0x10, s15, s14, $0xb8;
	[tilespmem:$0x4400] =	vst v63  }
0x6b: {  	_ = 	snop  }
0x6c: {  	[spmem:s2] =	stream.indirect.scatter.add.f32 [tilespmem:s12], [sflag:$0x1], $0x10, s16, s14, $0xb8;
	[tilespmem:$0x4400] =	vst v63  }
0x6d: {  	_ = 	snop  }
0x6e: {  	[spmem:s2] =	stream.indirect.scatter.add.f32 [tilespmem:s12], [sflag:$0x1], $0x10, s17, s14, $0xb8;
	[tilespmem:$0x4400] =	vst v63  }
0x6f: {  	_ =	swait.ge [sflag:s18], $0x800  }
0x70: {  	s20 =	simm.s32 $0x27;
	[sflag:s18] =	ssyncset.done $0x0  }
.LBB2_2:
0x71: {  	p0 =	sne.s32 s20, $0x1;
	s20 =	sadd.s32 $0xFFFFFFFF, s20;
	[sflag:s18] =	ssyncadd.s32 $0xFFFFF800  }
.Ltmp0:
0x72: {  	(pc) =	sbr.rel @p0 .LBB2_2-.Ltmp0, $3  }
0x73: {  	_ =	sdelay $0x1  }
0x74: {  	_ =	swait.ge [sflag:s18], $0x800  }
0x75: {  	[sflag:s18] =	ssyncset.done $0x0  }
0x76: {  	s19 =	sadd.s32 $0x1, s19  }
0x77: {  	[sflag:s18] =	ssyncadd.s32 $0xFFFFF800;
	p0 =	sne.s32 s19, s9  }
.Ltmp1:
0x78: {  	[bflag:$0x0] =	sbarrier.arrive $0xFFFF;
	(pc) =	sbr.rel @p0 .LBB2_1-.Ltmp1, $4  }
0x79: {  	[hbm:s8], [sflag:s6] =	dma.local [spmem:s10], $0x500  }
0x7a: {  	_ =	swait.ge [sflag:s11], $0x500  }
0x7b: {  	[sflag:s11] =	ssyncset.done $0x0  }
0x7c: {  	[sflag:s11] =	ssyncadd.s32 $0xFFFFFB00  }
0x7d: {  	_ =	sfence.sel $0x180000  }
0x7e: {  	[bflag:$0x0] =	sbarrier.arrive $0xFFFF  }
0x7f: {  	_ =	strace $0x90000047  }
0x80: {  	s0 =	stileid.u32;
	[bflag:$0x2] =	sbarrier.arrive $0xFFFF  }
0x81: {  	p0 =	sne.s32 s0, $0x0;
	s0 =	rddreg [dreg:$0x2]  }
0x82: {  	s0 =	sadd.s32 @!p0 $0x100000, s0  }
0x83: {  	[sflag:s0] =	ssyncadd.tile.s32 @!p0 $0x1;
	_ =	shalt  }
.Lfunc_end2:
_tile_overlayer_lowered:
.L_overlay_start_2:
0x84: {  	(tag) =	ssettag $0x2  }
0x85: {  	s0 =	rddreg [dreg:$0x0];
	s2 =	stileid.u32  }
0x86: {  	s1 =	rddreg [dreg:$0x1];
	p0 =	sne.s32 s2, $0x0  }
0x87: {  	s3 =	rddreg [dreg:$0x2];
	[bflag:$0x3] =	sbarrier.arrive $0xFFFF;
	s2 =	simm.s32 @!p0 $0x1C02  }
0x88: {  	[timem:s3], [sflag:s2] =	dma.local @!p0 [hbm:s0], s1  }
0x89: {  	s0 =	simm.s32 @!p0 $0x2  }
0x8a: {  	_ =	swait.ge @!p0 [sflag:s0], s1  }
0x8b: {  	s1 =	ssub.s32 @!p0 $0x0, s1;
	[sflag:s0] =	ssyncset.done @!p0 $0x0  }
0x8c: {  	[sflag:s0] =	ssyncadd.s32 @!p0 s1  }
0x8d: {  	[bflag:$0x3] =	sbarrier.arrive $0xFFFF  }
0x8e: {  	_ =	shalt  }

</sc_bundles>
